<compile_context>
chip_gen: v7x
topology: tpu7x:2x2x1
jax: 0.10.2.dev20260603
libtpu: 0.0.44.dev20260713+nightly
codegen_flags: <defaults>
</compile_context>

<pallas_src>
import functools
import math

import jax
import jax.numpy as jnp
from jax import lax
from jax.experimental import pallas as pl
from jax.experimental.pallas import tpu as pltpu
from jax.experimental.pallas import tpu_sc as plsc

jax.config.update("jax_enable_x64", True)

_LANES = 128
_NC, _NS = 2, 16
_CHUNK = 128


def _srl(v, n):
    return lax.shift_right_logical(v, jnp.int32(n))


def _hash_body(max_ngram, n_heads, sh_ref, mc_ref, rk_ref, mod_ref, off_ref,
               out_ref):
    digits = []
    for k in range(max_ngram):
        ids = sh_ref[k]
        c0, c1, c2 = mc_ref[k, 0], mc_ref[k, 1], mc_ref[k, 2]
        p0 = ids * c0
        p1 = ids * c1
        p2 = ids * c2
        d0 = p0 & 0xFFFF
        t1 = _srl(p0, 16) + (p1 & 0xFFFF)
        d1 = t1 & 0xFFFF
        t2 = _srl(p1, 16) + (p2 & 0xFFFF) + _srl(t1, 16)
        d2 = t2 & 0xFFFF
        d3 = _srl(t2, 16) + _srl(p2, 16)
        digits.append((d0, d1, d2, d3))
    mix = digits[0]
    for n in range(2, max_ngram + 1):
        mix = tuple(a ^ b for a, b in zip(mix, digits[n - 1]))
        for h in range(n_heads):
            head = (n - 2) * n_heads + h
            s = None
            for j, d in enumerate(mix):
                lo = d & 0xFF
                hi = _srl(d, 8)
                term = lo * rk_ref[head, 2 * j] + hi * rk_ref[head, 2 * j + 1]
                s = term if s is None else s + term
            out_ref[head] = jnp.mod(s, mod_ref[head]) + off_ref[head]


def _compute_flat_idx(input_ids, hash_mults, hash_mods, offsets):
    b, t = input_ids.shape
    max_ngram = int(hash_mults.shape[0])
    total_heads = int(hash_mods.shape[0])
    n_heads = total_heads // (max_ngram - 1)
    nr = (b * t) // _LANES

    ids32 = input_ids.astype(jnp.int32)
    shifts = [ids32]
    for k in range(1, max_ngram):
        shifts.append(jnp.pad(ids32, ((0, 0), (k, 0)))[:, :t])
    sh = jnp.stack(shifts).reshape(max_ngram, nr, _LANES)

    m64 = hash_mults.astype(jnp.int64)
    mc = jnp.stack([m64 & 0xFFFF, (m64 >> 16) & 0xFFFF, (m64 >> 32) & 0xFFFF],
                   axis=1).astype(jnp.int32)
    pow8 = jnp.asarray([1 << (8 * j) for j in range(8)], dtype=jnp.int64)
    rk = jnp.mod(pow8[None, :], hash_mods[:, None]).astype(jnp.int32)
    mods32 = hash_mods.astype(jnp.int32)
    offs32 = offsets.astype(jnp.int32)

    smem = pl.BlockSpec(memory_space=pltpu.SMEM)
    hashes = pl.pallas_call(
        functools.partial(_hash_body, max_ngram, n_heads),
        out_shape=jax.ShapeDtypeStruct((total_heads, nr, _LANES), jnp.int32),
        in_specs=[pl.BlockSpec(memory_space=pltpu.VMEM),
                  smem, smem, smem, smem],
    )(sh, mc, rk, mods32, offs32)
    return hashes.reshape(-1)


def _gather_body(n_chunks, table_hbm, idx_hbm, out_hbm, idx_v, rows_v, sem):
    wid = lax.axis_index("s") * _NC + lax.axis_index("c")
    base = wid * (n_chunks * _CHUNK)
    for c in range(n_chunks):
        off = base + c * _CHUNK
        pltpu.sync_copy(idx_hbm.at[pl.ds(off, _CHUNK)], idx_v)
        pltpu.async_copy(table_hbm.at[idx_v], rows_v, sem).wait()
        pltpu.sync_copy(rows_v, out_hbm.at[pl.ds(off, _CHUNK)])


def _sc_gather(table, idx):
    n_idx = int(idx.shape[0])
    d = int(table.shape[1])
    nw = _NC * _NS
    n_chunks = n_idx // (nw * _CHUNK)
    mesh = plsc.VectorSubcoreMesh(core_axis_name="c", subcore_axis_name="s")
    k = pl.kernel(
        functools.partial(_gather_body, n_chunks),
        out_type=jax.ShapeDtypeStruct((n_idx, d), jnp.float32),
        mesh=mesh,
        scratch_types=[
            pltpu.VMEM((_CHUNK,), jnp.int32),
            pltpu.VMEM((_CHUNK, d), jnp.float32),
            pltpu.SemaphoreType.DMA,
        ],
        compiler_params=pltpu.CompilerParams(use_tc_tiling_on_sc=False),
    )
    return k(table, idx)


def _proj_body(hidden, eps, emb_ref, x_ref, wv_ref, wk_ref, qw_ref,
               kw_ref, out_ref):
    e = emb_ref[...]
    emb = jnp.concatenate([e[h] for h in range(e.shape[0])],
                          axis=1).astype(jnp.bfloat16)
    dn = (((1,), (1,)), ((), ()))
    value = lax.dot_general(emb, wv_ref[...], dn,
                            preferred_element_type=jnp.float32)
    key_v = lax.dot_general(emb, wk_ref[...], dn,
                            preferred_element_type=jnp.float32)
    x = x_ref[...]
    q = x * lax.rsqrt(jnp.mean(x * x, axis=-1, keepdims=True) + eps)
    q = q * qw_ref[...]
    kn = key_v * lax.rsqrt(jnp.mean(key_v * key_v, axis=-1, keepdims=True)
                           + eps)
    kn = kn * kw_ref[...]
    gate = jax.nn.sigmoid(jnp.sum(q * kn, axis=-1, keepdims=True)
                          / math.sqrt(float(hidden)))
    out_ref[...] = gate * value


def _proj(emb_hm, x2d, Wv, Wk, qw, kw):
    heads, n, dw = emb_hm.shape
    e = heads * dw
    hidden = x2d.shape[1]
    blk = 512
    grid = (n // blk,)
    return pl.pallas_call(
        functools.partial(_proj_body, hidden, 1e-6),
        grid=grid,
        in_specs=[
            pl.BlockSpec((heads, blk, dw), lambda i: (i * 0, i, i * 0)),
            pl.BlockSpec((blk, hidden), lambda i: (i, i * 0)),
            pl.BlockSpec((hidden, e), lambda i: (i * 0, i * 0)),
            pl.BlockSpec((hidden, e), lambda i: (i * 0, i * 0)),
            pl.BlockSpec((1, hidden), lambda i: (i * 0, i * 0)),
            pl.BlockSpec((1, hidden), lambda i: (i * 0, i * 0)),
        ],
        out_specs=pl.BlockSpec((blk, hidden), lambda i: (i, i * 0)),
        out_shape=jax.ShapeDtypeStruct((n, hidden), jnp.float32),
    )(emb_hm, x2d, Wv, Wk, qw.reshape(1, -1), kw.reshape(1, -1))


def kernel(x, input_ids, emb_table, Wv, Wk, key_norm_w, query_norm_w,
           hash_mults, hash_mods, offsets):
    b, t, hidden = x.shape
    total_rows, per_head = emb_table.shape
    heads = int(hash_mods.shape[0])
    flat_idx = _compute_flat_idx(input_ids, hash_mults, hash_mods, offsets)
    rows = _sc_gather(emb_table.astype(jnp.float32), flat_idx)
    emb_hm = rows.reshape(heads, b * t, per_head)
    out = _proj(emb_hm, x.reshape(b * t, hidden).astype(jnp.float32),
                Wv.astype(jnp.bfloat16), Wk.astype(jnp.bfloat16),
                key_norm_w.astype(jnp.float32),
                query_norm_w.astype(jnp.float32))
    return out.reshape(b, t, hidden)

# --- scband reference (transcript-rebuilt; emitter-appended) ---
"""Pipeline reference for scband-engram-42915313221887 (READ-ONLY COPY).

The authoritative reference and input builder live on the scoring server;
editing this copy changes nothing except your own understanding.
"""

import jax, jax.numpy as jnp
jax.config.update('jax_enable_x64', True)
import numpy as np

B, T = 2, 4096
HIDDEN = 2048
TABLE_SIZE = 131072
MAX_NGRAM = 3
N_HEADS = 4
EMBED_DIM = 256
LAYER_ID = 1
SEED = 42
PAD_ID = 0
VOCAB = 50000
PER_HEAD_DIM = EMBED_DIM // N_HEADS
ENGRAM_HIDDEN = (MAX_NGRAM - 1) * EMBED_DIM
TOTAL_HEADS = (MAX_NGRAM - 1) * N_HEADS


def _find_next_prime(start, seen):
    candidate = start + 1
    while True:
        if candidate > 1 and all(candidate % i != 0 for i in range(2, int(candidate ** 0.5) + 1)):
            if candidate not in seen:
                return candidate
        candidate += 1


def _build_hash_constants():
    rng = np.random.default_rng(SEED + 10007 * LAYER_ID)
    max_long = np.iinfo(np.int64).max
    half_bound = max(1, int(max_long // (TABLE_SIZE * 4)))
    r = rng.integers(0, half_bound, size=(MAX_NGRAM,), dtype=np.int64)
    mults = r * 2 + 1
    seen = set()
    mods = []
    search = TABLE_SIZE - 1
    for _ngram in range(MAX_NGRAM - 1):
        for _h in range(N_HEADS):
            p = _find_next_prime(search, seen)
            seen.add(p)
            mods.append(p)
            search = p
    return mults, np.asarray(mods, dtype=np.int64)


def setup_inputs(seed: int = 0):
    key = jax.random.key(seed)
    ks = jax.random.split(key, 8)
    mults, mods = _build_hash_constants()
    offsets = np.concatenate([np.zeros(1, dtype=np.int64), np.cumsum(mods[:-1])]).astype(np.int64)
    total_rows = int(mods.sum())
    x = jax.random.normal(ks[0], (B, T, HIDDEN), dtype=jnp.float32)
    input_ids = jax.random.randint(ks[1], (B, T), 0, VOCAB, dtype=jnp.int64)
    emb_table = jax.random.normal(ks[2], (total_rows, PER_HEAD_DIM), dtype=jnp.float32) * 0.02
    Wv = jax.random.normal(ks[3], (HIDDEN, ENGRAM_HIDDEN), dtype=jnp.float32) * 0.02
    Wk = jax.random.normal(ks[4], (HIDDEN, ENGRAM_HIDDEN), dtype=jnp.float32) * 0.02
    key_norm_w = jnp.ones((HIDDEN,), dtype=jnp.float32)
    query_norm_w = jnp.ones((HIDDEN,), dtype=jnp.float32)
    return {
        'x': x,
        'input_ids': input_ids,
        'emb_table': emb_table,
        'Wv': Wv,
        'Wk': Wk,
        'key_norm_w': key_norm_w,
        'query_norm_w': query_norm_w,
        'hash_mults': jnp.asarray(mults, dtype=jnp.int64),
        'hash_mods': jnp.asarray(mods, dtype=jnp.int64),
        'offsets': jnp.asarray(offsets, dtype=jnp.int64),
    }


def _rmsnorm(v, w, eps=1e-6):
    var = jnp.mean(jnp.square(v), axis=-1, keepdims=True)
    return v * jax.lax.rsqrt(var + eps) * w


def reference(x, input_ids, emb_table, Wv, Wk, key_norm_w, query_norm_w, hash_mults, hash_mods, offsets):
    ids = input_ids.astype(jnp.int64)
    # build shifted token streams for n-gram construction
    shifts = [ids]
    for k in range(1, MAX_NGRAM):
        shifted = jnp.pad(ids, ((0, 0), (k, 0)), mode='constant', constant_values=PAD_ID)[:, :T]
        shifts.append(shifted)
    # multiplicative xor hashing per n-gram order, modulo per-head prime
    hashes = []
    for n in range(2, MAX_NGRAM + 1):
        ngram_idx = n - 2
        mix = shifts[0] * hash_mults[0]
        for k in range(1, n):
            mix = jnp.bitwise_xor(mix, shifts[k] * hash_mults[k])
        for h in range(N_HEADS):
            mod = hash_mods[ngram_idx * N_HEADS + h]
            hashes.append(jnp.mod(mix, mod))
    hash_ids = jnp.stack(hashes, axis=2)  # [B, T, TOTAL_HEADS]
    # flattened multi-head embedding lookup (memory-bound gather)
    flat_idx = hash_ids + offsets
    emb = jnp.take(emb_table, flat_idx, axis=0)  # [B, T, TOTAL_HEADS, PER_HEAD_DIM]
    emb = emb.reshape(B, T, TOTAL_HEADS * PER_HEAD_DIM)  # [B, T, ENGRAM_HIDDEN]
    # gated injection: value/key projections, rmsnorm query/key, scalar gate
    value = emb @ Wv.T
    key_v = emb @ Wk.T
    q = _rmsnorm(x, query_norm_w)
    k_ = _rmsnorm(key_v, key_norm_w)
    gate = jax.nn.sigmoid(jnp.sum(q * k_, axis=-1, keepdims=True) / jnp.sqrt(float(HIDDEN)))
    return gate * value

if __name__ == "__main__":
    import jax
    _d = setup_inputs()
    print(jax.jit(kernel)(*tuple(_d.values())))

</pallas_src>

<mosaic_0001>
#map = affine_map<(d0, d1) -> (0, 0)>
#map1 = affine_map<(d0, d1) -> (0)>
module attributes {stable_mosaic.version = 14 : i64} {
  func.func @_gather_body(%arg0: i32, %arg1: i32, %arg2: memref<1049120x64xf32, #tpu.memory_space<hbm>>, %arg3: memref<65536xi32, #tpu.memory_space<hbm>>, %arg4: memref<65536x64xf32, #tpu.memory_space<hbm>>, %arg5: memref<128xi32, #tpu.memory_space<vmem>>, %arg6: memref<128x64xf32, #tpu.memory_space<vmem>>, %arg7: memref<!tpu.dma_semaphore, #tpu.memory_space<semaphore_mem>>) attributes {dimension_semantics = [#tpu.dimension_semantics<core_parallel>, #tpu.dimension_semantics<subcore_parallel>], iteration_bounds = array<i64: 2, 16>, scalar_prefetch = 0 : i64, scratch_operands = 3 : i64, tpu.core_type = #tpu.core_type<sc_vector_subcore>, window_params = [{transform_indices = #map}, {transform_indices = #map1}, {transform_indices = #map}]} {
    %mul3A = arith.constant 2 : i32
    %mul3A_0 = arith.muli %arg1, %mul3A : i32
    %add3A = arith.addi %mul3A_0, %arg0 : i32
    %mul3A_1 = arith.constant 2048 : i32
    %mul3A_2 = arith.muli %add3A, %mul3A_1 : i32
    %add3A_3 = arith.constant 0 : i32
    %add3A_4 = arith.addi %mul3A_2, %add3A_3 : i32
    "tpu.region"() ({
      %run_scoped3A = tpu.sem_alloc : memref<!tpu.dma_semaphore, #tpu.memory_space<semaphore_mem>>
      %dma_start3A_129 = tpu.memref_slice %arg3[%add3A_4] : memref<65536xi32, #tpu.memory_space<hbm>> -> memref<128xi32, #tpu.memory_space<hbm>>
      %dma_start3A_130 = tpu.memref_slice %arg3[%add3A_4] : memref<65536xi32, #tpu.memory_space<hbm>> -> memref<128xi32, #tpu.memory_space<hbm>>
      tpu.enqueue_dma source(%dma_start3A_130 : memref<128xi32, #tpu.memory_space<hbm>>) target(%arg5 : memref<128xi32, #tpu.memory_space<vmem>>) target_semaphore(%run_scoped3A : memref<!tpu.dma_semaphore, #tpu.memory_space<semaphore_mem>>)
      %dma_wait3A_131 = tpu.memref_slice %arg3[%add3A_4] : memref<65536xi32, #tpu.memory_space<hbm>> -> memref<128xi32, #tpu.memory_space<hbm>>
      %dma_wait3A_132 = tpu.memref_slice %arg3[%add3A_4] : memref<65536xi32, #tpu.memory_space<hbm>> -> memref<128xi32, #tpu.memory_space<hbm>>
      tpu.wait_dma2 semaphore(%run_scoped3A : memref<!tpu.dma_semaphore, #tpu.memory_space<semaphore_mem>>) src(%dma_wait3A_132 : memref<128xi32, #tpu.memory_space<hbm>>) dst(%arg5 : memref<128xi32, #tpu.memory_space<vmem>>)
      tpu.yield
    }) : () -> ()
    %dma_start3A = arith.constant 0 : i32
    %dma_start3A_5 = arith.constant 0 : i32
    %dma_start3A_6 = tpu.memref_slice %arg2[%dma_start3A, %dma_start3A_5] : memref<1049120x64xf32, #tpu.memory_space<hbm>> -> memref<1049120x64xf32, #tpu.memory_space<hbm>>
    tpu.enqueue_indirect_dma source(%dma_start3A_6 : memref<1049120x64xf32, #tpu.memory_space<hbm>>) target(%arg6 : memref<128x64xf32, #tpu.memory_space<vmem>>) offsets(%arg5 : memref<128xi32, #tpu.memory_space<vmem>>) semaphore(%arg7 : memref<!tpu.dma_semaphore, #tpu.memory_space<semaphore_mem>>)
    %dma_wait3A = arith.constant 0 : i32
    %dma_wait3A_7 = arith.constant 0 : i32
    %dma_wait3A_8 = tpu.memref_slice %arg2[%dma_wait3A, %dma_wait3A_7] : memref<1049120x64xf32, #tpu.memory_space<hbm>> -> memref<1049120x64xf32, #tpu.memory_space<hbm>>
    tpu.wait_indirect_dma semaphore(%arg7 : memref<!tpu.dma_semaphore, #tpu.memory_space<semaphore_mem>>) src(%dma_wait3A_8 : memref<1049120x64xf32, #tpu.memory_space<hbm>>) dst(%arg6 : memref<128x64xf32, #tpu.memory_space<vmem>>)
    "tpu.region"() ({
      %run_scoped3A = tpu.sem_alloc : memref<!tpu.dma_semaphore, #tpu.memory_space<semaphore_mem>>
      %dma_start3A_129 = arith.constant 0 : i32
      %dma_start3A_130 = tpu.memref_slice %arg4[%add3A_4, %dma_start3A_129] : memref<65536x64xf32, #tpu.memory_space<hbm>> -> memref<128x64xf32, #tpu.memory_space<hbm>>
      %dma_start3A_131 = arith.constant 0 : i32
      %dma_start3A_132 = tpu.memref_slice %arg4[%add3A_4, %dma_start3A_131] : memref<65536x64xf32, #tpu.memory_space<hbm>> -> memref<128x64xf32, #tpu.memory_space<hbm>>
      tpu.enqueue_dma source(%arg6 : memref<128x64xf32, #tpu.memory_space<vmem>>) target(%dma_start3A_132 : memref<128x64xf32, #tpu.memory_space<hbm>>) target_semaphore(%run_scoped3A : memref<!tpu.dma_semaphore, #tpu.memory_space<semaphore_mem>>)
      %dma_wait3A_133 = arith.constant 0 : i32
      %dma_wait3A_134 = tpu.memref_slice %arg4[%add3A_4, %dma_wait3A_133] : memref<65536x64xf32, #tpu.memory_space<hbm>> -> memref<128x64xf32, #tpu.memory_space<hbm>>
      %dma_wait3A_135 = arith.constant 0 : i32
      %dma_wait3A_136 = tpu.memref_slice %arg4[%add3A_4, %dma_wait3A_135] : memref<65536x64xf32, #tpu.memory_space<hbm>> -> memref<128x64xf32, #tpu.memory_space<hbm>>
      tpu.wait_dma2 semaphore(%run_scoped3A : memref<!tpu.dma_semaphore, #tpu.memory_space<semaphore_mem>>) src(%arg6 : memref<128x64xf32, #tpu.memory_space<vmem>>) dst(%dma_wait3A_136 : memref<128x64xf32, #tpu.memory_space<hbm>>)
      tpu.yield
    }) : () -> ()
    %add3A_9 = arith.constant 128 : i32
    %add3A_10 = arith.addi %mul3A_2, %add3A_9 : i32
    "tpu.region"() ({
      %run_scoped3A = tpu.sem_alloc : memref<!tpu.dma_semaphore, #tpu.memory_space<semaphore_mem>>
      %dma_start3A_129 = tpu.memref_slice %arg3[%add3A_10] : memref<65536xi32, #tpu.memory_space<hbm>> -> memref<128xi32, #tpu.memory_space<hbm>>
      %dma_start3A_130 = tpu.memref_slice %arg3[%add3A_10] : memref<65536xi32, #tpu.memory_space<hbm>> -> memref<128xi32, #tpu.memory_space<hbm>>
      tpu.enqueue_dma source(%dma_start3A_130 : memref<128xi32, #tpu.memory_space<hbm>>) target(%arg5 : memref<128xi32, #tpu.memory_space<vmem>>) target_semaphore(%run_scoped3A : memref<!tpu.dma_semaphore, #tpu.memory_space<semaphore_mem>>)
      %dma_wait3A_131 = tpu.memref_slice %arg3[%add3A_10] : memref<65536xi32, #tpu.memory_space<hbm>> -> memref<128xi32, #tpu.memory_space<hbm>>
      %dma_wait3A_132 = tpu.memref_slice %arg3[%add3A_10] : memref<65536xi32, #tpu.memory_space<hbm>> -> memref<128xi32, #tpu.memory_space<hbm>>
      tpu.wait_dma2 semaphore(%run_scoped3A : memref<!tpu.dma_semaphore, #tpu.memory_space<semaphore_mem>>) src(%dma_wait3A_132 : memref<128xi32, #tpu.memory_space<hbm>>) dst(%arg5 : memref<128xi32, #tpu.memory_space<vmem>>)
      tpu.yield
    }) : () -> ()
    %dma_start3A_11 = arith.constant 0 : i32
    %dma_start3A_12 = arith.constant 0 : i32
    %dma_start3A_13 = tpu.memref_slice %arg2[%dma_start3A_11, %dma_start3A_12] : memref<1049120x64xf32, #tpu.memory_space<hbm>> -> memref<1049120x64xf32, #tpu.memory_space<hbm>>
    tpu.enqueue_indirect_dma source(%dma_start3A_13 : memref<1049120x64xf32, #tpu.memory_space<hbm>>) target(%arg6 : memref<128x64xf32, #tpu.memory_space<vmem>>) offsets(%arg5 : memref<128xi32, #tpu.memory_space<vmem>>) semaphore(%arg7 : memref<!tpu.dma_semaphore, #tpu.memory_space<semaphore_mem>>)
    %dma_wait3A_14 = arith.constant 0 : i32
    %dma_wait3A_15 = arith.constant 0 : i32
    %dma_wait3A_16 = tpu.memref_slice %arg2[%dma_wait3A_14, %dma_wait3A_15] : memref<1049120x64xf32, #tpu.memory_space<hbm>> -> memref<1049120x64xf32, #tpu.memory_space<hbm>>
    tpu.wait_indirect_dma semaphore(%arg7 : memref<!tpu.dma_semaphore, #tpu.memory_space<semaphore_mem>>) src(%dma_wait3A_16 : memref<1049120x64xf32, #tpu.memory_space<hbm>>) dst(%arg6 : memref<128x64xf32, #tpu.memory_space<vmem>>)
    "tpu.region"() ({
      %run_scoped3A = tpu.sem_alloc : memref<!tpu.dma_semaphore, #tpu.memory_space<semaphore_mem>>
      %dma_start3A_129 = arith.constant 0 : i32
      %dma_start3A_130 = tpu.memref_slice %arg4[%add3A_10, %dma_start3A_129] : memref<65536x64xf32, #tpu.memory_space<hbm>> -> memref<128x64xf32, #tpu.memory_space<hbm>>
      %dma_start3A_131 = arith.constant 0 : i32
      %dma_start3A_132 = tpu.memref_slice %arg4[%add3A_10, %dma_start3A_131] : memref<65536x64xf32, #tpu.memory_space<hbm>> -> memref<128x64xf32, #tpu.memory_space<hbm>>
      tpu.enqueue_dma source(%arg6 : memref<128x64xf32, #tpu.memory_space<vmem>>) target(%dma_start3A_132 : memref<128x64xf32, #tpu.memory_space<hbm>>) target_semaphore(%run_scoped3A : memref<!tpu.dma_semaphore, #tpu.memory_space<semaphore_mem>>)
      %dma_wait3A_133 = arith.constant 0 : i32
      %dma_wait3A_134 = tpu.memref_slice %arg4[%add3A_10, %dma_wait3A_133] : memref<65536x64xf32, #tpu.memory_space<hbm>> -> memref<128x64xf32, #tpu.memory_space<hbm>>
      %dma_wait3A_135 = arith.constant 0 : i32
      %dma_wait3A_136 = tpu.memref_slice %arg4[%add3A_10, %dma_wait3A_135] : memref<65536x64xf32, #tpu.memory_space<hbm>> -> memref<128x64xf32, #tpu.memory_space<hbm>>
      tpu.wait_dma2 semaphore(%run_scoped3A : memref<!tpu.dma_semaphore, #tpu.memory_space<semaphore_mem>>) src(%arg6 : memref<128x64xf32, #tpu.memory_space<vmem>>) dst(%dma_wait3A_136 : memref<128x64xf32, #tpu.memory_space<hbm>>)
      tpu.yield
    }) : () -> ()
    %add3A_17 = arith.constant 256 : i32
    %add3A_18 = arith.addi %mul3A_2, %add3A_17 : i32
    "tpu.region"() ({
      %run_scoped3A = tpu.sem_alloc : memref<!tpu.dma_semaphore, #tpu.memory_space<semaphore_mem>>
      %dma_start3A_129 = tpu.memref_slice %arg3[%add3A_18] : memref<65536xi32, #tpu.memory_space<hbm>> -> memref<128xi32, #tpu.memory_space<hbm>>
      %dma_start3A_130 = tpu.memref_slice %arg3[%add3A_18] : memref<65536xi32, #tpu.memory_space<hbm>> -> memref<128xi32, #tpu.memory_space<hbm>>
      tpu.enqueue_dma source(%dma_start3A_130 : memref<128xi32, #tpu.memory_space<hbm>>) target(%arg5 : memref<128xi32, #tpu.memory_space<vmem>>) target_semaphore(%run_scoped3A : memref<!tpu.dma_semaphore, #tpu.memory_space<semaphore_mem>>)
      %dma_wait3A_131 = tpu.memref_slice %arg3[%add3A_18] : memref<65536xi32, #tpu.memory_space<hbm>> -> memref<128xi32, #tpu.memory_space<hbm>>
      %dma_wait3A_132 = tpu.memref_slice %arg3[%add3A_18] : memref<65536xi32, #tpu.memory_space<hbm>> -> memref<128xi32, #tpu.memory_space<hbm>>
      tpu.wait_dma2 semaphore(%run_scoped3A : memref<!tpu.dma_semaphore, #tpu.memory_space<semaphore_mem>>) src(%dma_wait3A_132 : memref<128xi32, #tpu.memory_space<hbm>>) dst(%arg5 : memref<128xi32, #tpu.memory_space<vmem>>)
      tpu.yield
    }) : () -> ()
    %dma_start3A_19 = arith.constant 0 : i32
    %dma_start3A_20 = arith.constant 0 : i32
    %dma_start3A_21 = tpu.memref_slice %arg2[%dma_start3A_19, %dma_start3A_20] : memref<1049120x64xf32, #tpu.memory_space<hbm>> -> memref<1049120x64xf32, #tpu.memory_space<hbm>>
    tpu.enqueue_indirect_dma source(%dma_start3A_21 : memref<1049120x64xf32, #tpu.memory_space<hbm>>) target(%arg6 : memref<128x64xf32, #tpu.memory_space<vmem>>) offsets(%arg5 : memref<128xi32, #tpu.memory_space<vmem>>) semaphore(%arg7 : memref<!tpu.dma_semaphore, #tpu.memory_space<semaphore_mem>>)
    %dma_wait3A_22 = arith.constant 0 : i32
    %dma_wait3A_23 = arith.constant 0 : i32
    %dma_wait3A_24 = tpu.memref_slice %arg2[%dma_wait3A_22, %dma_wait3A_23] : memref<1049120x64xf32, #tpu.memory_space<hbm>> -> memref<1049120x64xf32, #tpu.memory_space<hbm>>
    tpu.wait_indirect_dma semaphore(%arg7 : memref<!tpu.dma_semaphore, #tpu.memory_space<semaphore_mem>>) src(%dma_wait3A_24 : memref<1049120x64xf32, #tpu.memory_space<hbm>>) dst(%arg6 : memref<128x64xf32, #tpu.memory_space<vmem>>)
    "tpu.region"() ({
      %run_scoped3A = tpu.sem_alloc : memref<!tpu.dma_semaphore, #tpu.memory_space<semaphore_mem>>
      %dma_start3A_129 = arith.constant 0 : i32
      %dma_start3A_130 = tpu.memref_slice %arg4[%add3A_18, %dma_start3A_129] : memref<65536x64xf32, #tpu.memory_space<hbm>> -> memref<128x64xf32, #tpu.memory_space<hbm>>
      %dma_start3A_131 = arith.constant 0 : i32
      %dma_start3A_132 = tpu.memref_slice %arg4[%add3A_18, %dma_start3A_131] : memref<65536x64xf32, #tpu.memory_space<hbm>> -> memref<128x64xf32, #tpu.memory_space<hbm>>
      tpu.enqueue_dma source(%arg6 : memref<128x64xf32, #tpu.memory_space<vmem>>) target(%dma_start3A_132 : memref<128x64xf32, #tpu.memory_space<hbm>>) target_semaphore(%run_scoped3A : memref<!tpu.dma_semaphore, #tpu.memory_space<semaphore_mem>>)
      %dma_wait3A_133 = arith.constant 0 : i32
      %dma_wait3A_134 = tpu.memref_slice %arg4[%add3A_18, %dma_wait3A_133] : memref<65536x64xf32, #tpu.memory_space<hbm>> -> memref<128x64xf32, #tpu.memory_space<hbm>>
      %dma_wait3A_135 = arith.constant 0 : i32
      %dma_wait3A_136 = tpu.memref_slice %arg4[%add3A_18, %dma_wait3A_135] : memref<65536x64xf32, #tpu.memory_space<hbm>> -> memref<128x64xf32, #tpu.memory_space<hbm>>
      tpu.wait_dma2 semaphore(%run_scoped3A : memref<!tpu.dma_semaphore, #tpu.memory_space<semaphore_mem>>) src(%arg6 : memref<128x64xf32, #tpu.memory_space<vmem>>) dst(%dma_wait3A_136 : memref<128x64xf32, #tpu.memory_space<hbm>>)
      tpu.yield
    }) : () -> ()
    %add3A_25 = arith.constant 384 : i32
    %add3A_26 = arith.addi %mul3A_2, %add3A_25 : i32
    "tpu.region"() ({
      %run_scoped3A = tpu.sem_alloc : memref<!tpu.dma_semaphore, #tpu.memory_space<semaphore_mem>>
      %dma_start3A_129 = tpu.memref_slice %arg3[%add3A_26] : memref<65536xi32, #tpu.memory_space<hbm>> -> memref<128xi32, #tpu.memory_space<hbm>>
      %dma_start3A_130 = tpu.memref_slice %arg3[%add3A_26] : memref<65536xi32, #tpu.memory_space<hbm>> -> memref<128xi32, #tpu.memory_space<hbm>>
      tpu.enqueue_dma source(%dma_start3A_130 : memref<128xi32, #tpu.memory_space<hbm>>) target(%arg5 : memref<128xi32, #tpu.memory_space<vmem>>) target_semaphore(%run_scoped3A : memref<!tpu.dma_semaphore, #tpu.memory_space<semaphore_mem>>)
      %dma_wait3A_131 = tpu.memref_slice %arg3[%add3A_26] : memref<65536xi32, #tpu.memory_space<hbm>> -> memref<128xi32, #tpu.memory_space<hbm>>
      %dma_wait3A_132 = tpu.memref_slice %arg3[%add3A_26] : memref<65536xi32, #tpu.memory_space<hbm>> -> memref<128xi32, #tpu.memory_space<hbm>>
      tpu.wait_dma2 semaphore(%run_scoped3A : memref<!tpu.dma_semaphore, #tpu.memory_space<semaphore_mem>>) src(%dma_wait3A_132 : memref<128xi32, #tpu.memory_space<hbm>>) dst(%arg5 : memref<128xi32, #tpu.memory_space<vmem>>)
      tpu.yield
    }) : () -> ()
    %dma_start3A_27 = arith.constant 0 : i32
    %dma_start3A_28 = arith.constant 0 : i32
    %dma_start3A_29 = tpu.memref_slice %arg2[%dma_start3A_27, %dma_start3A_28] : memref<1049120x64xf32, #tpu.memory_space<hbm>> -> memref<1049120x64xf32, #tpu.memory_space<hbm>>
    tpu.enqueue_indirect_dma source(%dma_start3A_29 : memref<1049120x64xf32, #tpu.memory_space<hbm>>) target(%arg6 : memref<128x64xf32, #tpu.memory_space<vmem>>) offsets(%arg5 : memref<128xi32, #tpu.memory_space<vmem>>) semaphore(%arg7 : memref<!tpu.dma_semaphore, #tpu.memory_space<semaphore_mem>>)
    %dma_wait3A_30 = arith.constant 0 : i32
    %dma_wait3A_31 = arith.constant 0 : i32
    %dma_wait3A_32 = tpu.memref_slice %arg2[%dma_wait3A_30, %dma_wait3A_31] : memref<1049120x64xf32, #tpu.memory_space<hbm>> -> memref<1049120x64xf32, #tpu.memory_space<hbm>>
    tpu.wait_indirect_dma semaphore(%arg7 : memref<!tpu.dma_semaphore, #tpu.memory_space<semaphore_mem>>) src(%dma_wait3A_32 : memref<1049120x64xf32, #tpu.memory_space<hbm>>) dst(%arg6 : memref<128x64xf32, #tpu.memory_space<vmem>>)
    "tpu.region"() ({
      %run_scoped3A = tpu.sem_alloc : memref<!tpu.dma_semaphore, #tpu.memory_space<semaphore_mem>>
      %dma_start3A_129 = arith.constant 0 : i32
      %dma_start3A_130 = tpu.memref_slice %arg4[%add3A_26, %dma_start3A_129] : memref<65536x64xf32, #tpu.memory_space<hbm>> -> memref<128x64xf32, #tpu.memory_space<hbm>>
      %dma_start3A_131 = arith.constant 0 : i32
      %dma_start3A_132 = tpu.memref_slice %arg4[%add3A_26, %dma_start3A_131] : memref<65536x64xf32, #tpu.memory_space<hbm>> -> memref<128x64xf32, #tpu.memory_space<hbm>>
      tpu.enqueue_dma source(%arg6 : memref<128x64xf32, #tpu.memory_space<vmem>>) target(%dma_start3A_132 : memref<128x64xf32, #tpu.memory_space<hbm>>) target_semaphore(%run_scoped3A : memref<!tpu.dma_semaphore, #tpu.memory_space<semaphore_mem>>)
      %dma_wait3A_133 = arith.constant 0 : i32
      %dma_wait3A_134 = tpu.memref_slice %arg4[%add3A_26, %dma_wait3A_133] : memref<65536x64xf32, #tpu.memory_space<hbm>> -> memref<128x64xf32, #tpu.memory_space<hbm>>
      %dma_wait3A_135 = arith.constant 0 : i32
      %dma_wait3A_136 = tpu.memref_slice %arg4[%add3A_26, %dma_wait3A_135] : memref<65536x64xf32, #tpu.memory_space<hbm>> -> memref<128x64xf32, #tpu.memory_space<hbm>>
      tpu.wait_dma2 semaphore(%run_scoped3A : memref<!tpu.dma_semaphore, #tpu.memory_space<semaphore_mem>>) src(%arg6 : memref<128x64xf32, #tpu.memory_space<vmem>>) dst(%dma_wait3A_136 : memref<128x64xf32, #tpu.memory_space<hbm>>)
      tpu.yield
    }) : () -> ()
    %add3A_33 = arith.constant 512 : i32
    %add3A_34 = arith.addi %mul3A_2, %add3A_33 : i32
    "tpu.region"() ({
      %run_scoped3A = tpu.sem_alloc : memref<!tpu.dma_semaphore, #tpu.memory_space<semaphore_mem>>
      %dma_start3A_129 = tpu.memref_slice %arg3[%add3A_34] : memref<65536xi32, #tpu.memory_space<hbm>> -> memref<128xi32, #tpu.memory_space<hbm>>
      %dma_start3A_130 = tpu.memref_slice %arg3[%add3A_34] : memref<65536xi32, #tpu.memory_space<hbm>> -> memref<128xi32, #tpu.memory_space<hbm>>
      tpu.enqueue_dma source(%dma_start3A_130 : memref<128xi32, #tpu.memory_space<hbm>>) target(%arg5 : memref<128xi32, #tpu.memory_space<vmem>>) target_semaphore(%run_scoped3A : memref<!tpu.dma_semaphore, #tpu.memory_space<semaphore_mem>>)
      %dma_wait3A_131 = tpu.memref_slice %arg3[%add3A_34] : memref<65536xi32, #tpu.memory_space<hbm>> -> memref<128xi32, #tpu.memory_space<hbm>>
      %dma_wait3A_132 = tpu.memref_slice %arg3[%add3A_34] : memref<65536xi32, #tpu.memory_space<hbm>> -> memref<128xi32, #tpu.memory_space<hbm>>
      tpu.wait_dma2 semaphore(%run_scoped3A : memref<!tpu.dma_semaphore, #tpu.memory_space<semaphore_mem>>) src(%dma_wait3A_132 : memref<128xi32, #tpu.memory_space<hbm>>) dst(%arg5 : memref<128xi32, #tpu.memory_space<vmem>>)
      tpu.yield
    }) : () -> ()
    %dma_start3A_35 = arith.constant 0 : i32
    %dma_start3A_36 = arith.constant 0 : i32
    %dma_start3A_37 = tpu.memref_slice %arg2[%dma_start3A_35, %dma_start3A_36] : memref<1049120x64xf32, #tpu.memory_space<hbm>> -> memref<1049120x64xf32, #tpu.memory_space<hbm>>
    tpu.enqueue_indirect_dma source(%dma_start3A_37 : memref<1049120x64xf32, #tpu.memory_space<hbm>>) target(%arg6 : memref<128x64xf32, #tpu.memory_space<vmem>>) offsets(%arg5 : memref<128xi32, #tpu.memory_space<vmem>>) semaphore(%arg7 : memref<!tpu.dma_semaphore, #tpu.memory_space<semaphore_mem>>)
    %dma_wait3A_38 = arith.constant 0 : i32
    %dma_wait3A_39 = arith.constant 0 : i32
    %dma_wait3A_40 = tpu.memref_slice %arg2[%dma_wait3A_38, %dma_wait3A_39] : memref<1049120x64xf32, #tpu.memory_space<hbm>> -> memref<1049120x64xf32, #tpu.memory_space<hbm>>
    tpu.wait_indirect_dma semaphore(%arg7 : memref<!tpu.dma_semaphore, #tpu.memory_space<semaphore_mem>>) src(%dma_wait3A_40 : memref<1049120x64xf32, #tpu.memory_space<hbm>>) dst(%arg6 : memref<128x64xf32, #tpu.memory_space<vmem>>)
    "tpu.region"() ({
      %run_scoped3A = tpu.sem_alloc : memref<!tpu.dma_semaphore, #tpu.memory_space<semaphore_mem>>
      %dma_start3A_129 = arith.constant 0 : i32
      %dma_start3A_130 = tpu.memref_slice %arg4[%add3A_34, %dma_start3A_129] : memref<65536x64xf32, #tpu.memory_space<hbm>> -> memref<128x64xf32, #tpu.memory_space<hbm>>
      %dma_start3A_131 = arith.constant 0 : i32
      %dma_start3A_132 = tpu.memref_slice %arg4[%add3A_34, %dma_start3A_131] : memref<65536x64xf32, #tpu.memory_space<hbm>> -> memref<128x64xf32, #tpu.memory_space<hbm>>
      tpu.enqueue_dma source(%arg6 : memref<128x64xf32, #tpu.memory_space<vmem>>) target(%dma_start3A_132 : memref<128x64xf32, #tpu.memory_space<hbm>>) target_semaphore(%run_scoped3A : memref<!tpu.dma_semaphore, #tpu.memory_space<semaphore_mem>>)
      %dma_wait3A_133 = arith.constant 0 : i32
      %dma_wait3A_134 = tpu.memref_slice %arg4[%add3A_34, %dma_wait3A_133] : memref<65536x64xf32, #tpu.memory_space<hbm>> -> memref<128x64xf32, #tpu.memory_space<hbm>>
      %dma_wait3A_135 = arith.constant 0 : i32
      %dma_wait3A_136 = tpu.memref_slice %arg4[%add3A_34, %dma_wait3A_135] : memref<65536x64xf32, #tpu.memory_space<hbm>> -> memref<128x64xf32, #tpu.memory_space<hbm>>
      tpu.wait_dma2 semaphore(%run_scoped3A : memref<!tpu.dma_semaphore, #tpu.memory_space<semaphore_mem>>) src(%arg6 : memref<128x64xf32, #tpu.memory_space<vmem>>) dst(%dma_wait3A_136 : memref<128x64xf32, #tpu.memory_space<hbm>>)
      tpu.yield
    }) : () -> ()
    %add3A_41 = arith.constant 640 : i32
    %add3A_42 = arith.addi %mul3A_2, %add3A_41 : i32
    "tpu.region"() ({
      %run_scoped3A = tpu.sem_alloc : memref<!tpu.dma_semaphore, #tpu.memory_space<semaphore_mem>>
      %dma_start3A_129 = tpu.memref_slice %arg3[%add3A_42] : memref<65536xi32, #tpu.memory_space<hbm>> -> memref<128xi32, #tpu.memory_space<hbm>>
      %dma_start3A_130 = tpu.memref_slice %arg3[%add3A_42] : memref<65536xi32, #tpu.memory_space<hbm>> -> memref<128xi32, #tpu.memory_space<hbm>>
      tpu.enqueue_dma source(%dma_start3A_130 : memref<128xi32, #tpu.memory_space<hbm>>) target(%arg5 : memref<128xi32, #tpu.memory_space<vmem>>) target_semaphore(%run_scoped3A : memref<!tpu.dma_semaphore, #tpu.memory_space<semaphore_mem>>)
      %dma_wait3A_131 = tpu.memref_slice %arg3[%add3A_42] : memref<65536xi32, #tpu.memory_space<hbm>> -> memref<128xi32, #tpu.memory_space<hbm>>
      %dma_wait3A_132 = tpu.memref_slice %arg3[%add3A_42] : memref<65536xi32, #tpu.memory_space<hbm>> -> memref<128xi32, #tpu.memory_space<hbm>>
      tpu.wait_dma2 semaphore(%run_scoped3A : memref<!tpu.dma_semaphore, #tpu.memory_space<semaphore_mem>>) src(%dma_wait3A_132 : memref<128xi32, #tpu.memory_space<hbm>>) dst(%arg5 : memref<128xi32, #tpu.memory_space<vmem>>)
      tpu.yield
    }) : () -> ()
    %dma_start3A_43 = arith.constant 0 : i32
    %dma_start3A_44 = arith.constant 0 : i32
    %dma_start3A_45 = tpu.memref_slice %arg2[%dma_start3A_43, %dma_start3A_44] : memref<1049120x64xf32, #tpu.memory_space<hbm>> -> memref<1049120x64xf32, #tpu.memory_space<hbm>>
    tpu.enqueue_indirect_dma source(%dma_start3A_45 : memref<1049120x64xf32, #tpu.memory_space<hbm>>) target(%arg6 : memref<128x64xf32, #tpu.memory_space<vmem>>) offsets(%arg5 : memref<128xi32, #tpu.memory_space<vmem>>) semaphore(%arg7 : memref<!tpu.dma_semaphore, #tpu.memory_space<semaphore_mem>>)
    %dma_wait3A_46 = arith.constant 0 : i32
    %dma_wait3A_47 = arith.constant 0 : i32
    %dma_wait3A_48 = tpu.memref_slice %arg2[%dma_wait3A_46, %dma_wait3A_47] : memref<1049120x64xf32, #tpu.memory_space<hbm>> -> memref<1049120x64xf32, #tpu.memory_space<hbm>>
    tpu.wait_indirect_dma semaphore(%arg7 : memref<!tpu.dma_semaphore, #tpu.memory_space<semaphore_mem>>) src(%dma_wait3A_48 : memref<1049120x64xf32, #tpu.memory_space<hbm>>) dst(%arg6 : memref<128x64xf32, #tpu.memory_space<vmem>>)
    "tpu.region"() ({
      %run_scoped3A = tpu.sem_alloc : memref<!tpu.dma_semaphore, #tpu.memory_space<semaphore_mem>>
      %dma_start3A_129 = arith.constant 0 : i32
      %dma_start3A_130 = tpu.memref_slice %arg4[%add3A_42, %dma_start3A_129] : memref<65536x64xf32, #tpu.memory_space<hbm>> -> memref<128x64xf32, #tpu.memory_space<hbm>>
      %dma_start3A_131 = arith.constant 0 : i32
      %dma_start3A_132 = tpu.memref_slice %arg4[%add3A_42, %dma_start3A_131] : memref<65536x64xf32, #tpu.memory_space<hbm>> -> memref<128x64xf32, #tpu.memory_space<hbm>>
      tpu.enqueue_dma source(%arg6 : memref<128x64xf32, #tpu.memory_space<vmem>>) target(%dma_start3A_132 : memref<128x64xf32, #tpu.memory_space<hbm>>) target_semaphore(%run_scoped3A : memref<!tpu.dma_semaphore, #tpu.memory_space<semaphore_mem>>)
      %dma_wait3A_133 = arith.constant 0 : i32
      %dma_wait3A_134 = tpu.memref_slice %arg4[%add3A_42, %dma_wait3A_133] : memref<65536x64xf32, #tpu.memory_space<hbm>> -> memref<128x64xf32, #tpu.memory_space<hbm>>
      %dma_wait3A_135 = arith.constant 0 : i32
      %dma_wait3A_136 = tpu.memref_slice %arg4[%add3A_42, %dma_wait3A_135] : memref<65536x64xf32, #tpu.memory_space<hbm>> -> memref<128x64xf32, #tpu.memory_space<hbm>>
      tpu.wait_dma2 semaphore(%run_scoped3A : memref<!tpu.dma_semaphore, #tpu.memory_space<semaphore_mem>>) src(%arg6 : memref<128x64xf32, #tpu.memory_space<vmem>>) dst(%dma_wait3A_136 : memref<128x64xf32, #tpu.memory_space<hbm>>)
      tpu.yield
    }) : () -> ()
    %add3A_49 = arith.constant 768 : i32
    %add3A_50 = arith.addi %mul3A_2, %add3A_49 : i32
    "tpu.region"() ({
      %run_scoped3A = tpu.sem_alloc : memref<!tpu.dma_semaphore, #tpu.memory_space<semaphore_mem>>
      %dma_start3A_129 = tpu.memref_slice %arg3[%add3A_50] : memref<65536xi32, #tpu.memory_space<hbm>> -> memref<128xi32, #tpu.memory_space<hbm>>
      %dma_start3A_130 = tpu.memref_slice %arg3[%add3A_50] : memref<65536xi32, #tpu.memory_space<hbm>> -> memref<128xi32, #tpu.memory_space<hbm>>
      tpu.enqueue_dma source(%dma_start3A_130 : memref<128xi32, #tpu.memory_space<hbm>>) target(%arg5 : memref<128xi32, #tpu.memory_space<vmem>>) target_semaphore(%run_scoped3A : memref<!tpu.dma_semaphore, #tpu.memory_space<semaphore_mem>>)
      %dma_wait3A_131 = tpu.memref_slice %arg3[%add3A_50] : memref<65536xi32, #tpu.memory_space<hbm>> -> memref<128xi32, #tpu.memory_space<hbm>>
      %dma_wait3A_132 = tpu.memref_slice %arg3[%add3A_50] : memref<65536xi32, #tpu.memory_space<hbm>> -> memref<128xi32, #tpu.memory_space<hbm>>
      tpu.wait_dma2 semaphore(%run_scoped3A : memref<!tpu.dma_semaphore, #tpu.memory_space<semaphore_mem>>) src(%dma_wait3A_132 : memref<128xi32, #tpu.memory_space<hbm>>) dst(%arg5 : memref<128xi32, #tpu.memory_space<vmem>>)
      tpu.yield
    }) : () -> ()
    %dma_start3A_51 = arith.constant 0 : i32
    %dma_start3A_52 = arith.constant 0 : i32
    %dma_start3A_53 = tpu.memref_slice %arg2[%dma_start3A_51, %dma_start3A_52] : memref<1049120x64xf32, #tpu.memory_space<hbm>> -> memref<1049120x64xf32, #tpu.memory_space<hbm>>
    tpu.enqueue_indirect_dma source(%dma_start3A_53 : memref<1049120x64xf32, #tpu.memory_space<hbm>>) target(%arg6 : memref<128x64xf32, #tpu.memory_space<vmem>>) offsets(%arg5 : memref<128xi32, #tpu.memory_space<vmem>>) semaphore(%arg7 : memref<!tpu.dma_semaphore, #tpu.memory_space<semaphore_mem>>)
    %dma_wait3A_54 = arith.constant 0 : i32
    %dma_wait3A_55 = arith.constant 0 : i32
    %dma_wait3A_56 = tpu.memref_slice %arg2[%dma_wait3A_54, %dma_wait3A_55] : memref<1049120x64xf32, #tpu.memory_space<hbm>> -> memref<1049120x64xf32, #tpu.memory_space<hbm>>
    tpu.wait_indirect_dma semaphore(%arg7 : memref<!tpu.dma_semaphore, #tpu.memory_space<semaphore_mem>>) src(%dma_wait3A_56 : memref<1049120x64xf32, #tpu.memory_space<hbm>>) dst(%arg6 : memref<128x64xf32, #tpu.memory_space<vmem>>)
    "tpu.region"() ({
      %run_scoped3A = tpu.sem_alloc : memref<!tpu.dma_semaphore, #tpu.memory_space<semaphore_mem>>
      %dma_start3A_129 = arith.constant 0 : i32
      %dma_start3A_130 = tpu.memref_slice %arg4[%add3A_50, %dma_start3A_129] : memref<65536x64xf32, #tpu.memory_space<hbm>> -> memref<128x64xf32, #tpu.memory_space<hbm>>
      %dma_start3A_131 = arith.constant 0 : i32
      %dma_start3A_132 = tpu.memref_slice %arg4[%add3A_50, %dma_start3A_131] : memref<65536x64xf32, #tpu.memory_space<hbm>> -> memref<128x64xf32, #tpu.memory_space<hbm>>
      tpu.enqueue_dma source(%arg6 : memref<128x64xf32, #tpu.memory_space<vmem>>) target(%dma_start3A_132 : memref<128x64xf32, #tpu.memory_space<hbm>>) target_semaphore(%run_scoped3A : memref<!tpu.dma_semaphore, #tpu.memory_space<semaphore_mem>>)
      %dma_wait3A_133 = arith.constant 0 : i32
      %dma_wait3A_134 = tpu.memref_slice %arg4[%add3A_50, %dma_wait3A_133] : memref<65536x64xf32, #tpu.memory_space<hbm>> -> memref<128x64xf32, #tpu.memory_space<hbm>>
      %dma_wait3A_135 = arith.constant 0 : i32
      %dma_wait3A_136 = tpu.memref_slice %arg4[%add3A_50, %dma_wait3A_135] : memref<65536x64xf32, #tpu.memory_space<hbm>> -> memref<128x64xf32, #tpu.memory_space<hbm>>
      tpu.wait_dma2 semaphore(%run_scoped3A : memref<!tpu.dma_semaphore, #tpu.memory_space<semaphore_mem>>) src(%arg6 : memref<128x64xf32, #tpu.memory_space<vmem>>) dst(%dma_wait3A_136 : memref<128x64xf32, #tpu.memory_space<hbm>>)
      tpu.yield
    }) : () -> ()
    %add3A_57 = arith.constant 896 : i32
    %add3A_58 = arith.addi %mul3A_2, %add3A_57 : i32
    "tpu.region"() ({
      %run_scoped3A = tpu.sem_alloc : memref<!tpu.dma_semaphore, #tpu.memory_space<semaphore_mem>>
      %dma_start3A_129 = tpu.memref_slice %arg3[%add3A_58] : memref<65536xi32, #tpu.memory_space<hbm>> -> memref<128xi32, #tpu.memory_space<hbm>>
      %dma_start3A_130 = tpu.memref_slice %arg3[%add3A_58] : memref<65536xi32, #tpu.memory_space<hbm>> -> memref<128xi32, #tpu.memory_space<hbm>>
      tpu.enqueue_dma source(%dma_start3A_130 : memref<128xi32, #tpu.memory_space<hbm>>) target(%arg5 : memref<128xi32, #tpu.memory_space<vmem>>) target_semaphore(%run_scoped3A : memref<!tpu.dma_semaphore, #tpu.memory_space<semaphore_mem>>)
      %dma_wait3A_131 = tpu.memref_slice %arg3[%add3A_58] : memref<65536xi32, #tpu.memory_space<hbm>> -> memref<128xi32, #tpu.memory_space<hbm>>
      %dma_wait3A_132 = tpu.memref_slice %arg3[%add3A_58] : memref<65536xi32, #tpu.memory_space<hbm>> -> memref<128xi32, #tpu.memory_space<hbm>>
      tpu.wait_dma2 semaphore(%run_scoped3A : memref<!tpu.dma_semaphore, #tpu.memory_space<semaphore_mem>>) src(%dma_wait3A_132 : memref<128xi32, #tpu.memory_space<hbm>>) dst(%arg5 : memref<128xi32, #tpu.memory_space<vmem>>)
      tpu.yield
    }) : () -> ()
    %dma_start3A_59 = arith.constant 0 : i32
    %dma_start3A_60 = arith.constant 0 : i32
    %dma_start3A_61 = tpu.memref_slice %arg2[%dma_start3A_59, %dma_start3A_60] : memref<1049120x64xf32, #tpu.memory_space<hbm>> -> memref<1049120x64xf32, #tpu.memory_space<hbm>>
    tpu.enqueue_indirect_dma source(%dma_start3A_61 : memref<1049120x64xf32, #tpu.memory_space<hbm>>) target(%arg6 : memref<128x64xf32, #tpu.memory_space<vmem>>) offsets(%arg5 : memref<128xi32, #tpu.memory_space<vmem>>) semaphore(%arg7 : memref<!tpu.dma_semaphore, #tpu.memory_space<semaphore_mem>>)
    %dma_wait3A_62 = arith.constant 0 : i32
    %dma_wait3A_63 = arith.constant 0 : i32
    %dma_wait3A_64 = tpu.memref_slice %arg2[%dma_wait3A_62, %dma_wait3A_63] : memref<1049120x64xf32, #tpu.memory_space<hbm>> -> memref<1049120x64xf32, #tpu.memory_space<hbm>>
    tpu.wait_indirect_dma semaphore(%arg7 : memref<!tpu.dma_semaphore, #tpu.memory_space<semaphore_mem>>) src(%dma_wait3A_64 : memref<1049120x64xf32, #tpu.memory_space<hbm>>) dst(%arg6 : memref<128x64xf32, #tpu.memory_space<vmem>>)
    "tpu.region"() ({
      %run_scoped3A = tpu.sem_alloc : memref<!tpu.dma_semaphore, #tpu.memory_space<semaphore_mem>>
      %dma_start3A_129 = arith.constant 0 : i32
      %dma_start3A_130 = tpu.memref_slice %arg4[%add3A_58, %dma_start3A_129] : memref<65536x64xf32, #tpu.memory_space<hbm>> -> memref<128x64xf32, #tpu.memory_space<hbm>>
      %dma_start3A_131 = arith.constant 0 : i32
      %dma_start3A_132 = tpu.memref_slice %arg4[%add3A_58, %dma_start3A_131] : memref<65536x64xf32, #tpu.memory_space<hbm>> -> memref<128x64xf32, #tpu.memory_space<hbm>>
      tpu.enqueue_dma source(%arg6 : memref<128x64xf32, #tpu.memory_space<vmem>>) target(%dma_start3A_132 : memref<128x64xf32, #tpu.memory_space<hbm>>) target_semaphore(%run_scoped3A : memref<!tpu.dma_semaphore, #tpu.memory_space<semaphore_mem>>)
      %dma_wait3A_133 = arith.constant 0 : i32
      %dma_wait3A_134 = tpu.memref_slice %arg4[%add3A_58, %dma_wait3A_133] : memref<65536x64xf32, #tpu.memory_space<hbm>> -> memref<128x64xf32, #tpu.memory_space<hbm>>
      %dma_wait3A_135 = arith.constant 0 : i32
      %dma_wait3A_136 = tpu.memref_slice %arg4[%add3A_58, %dma_wait3A_135] : memref<65536x64xf32, #tpu.memory_space<hbm>> -> memref<128x64xf32, #tpu.memory_space<hbm>>
      tpu.wait_dma2 semaphore(%run_scoped3A : memref<!tpu.dma_semaphore, #tpu.memory_space<semaphore_mem>>) src(%arg6 : memref<128x64xf32, #tpu.memory_space<vmem>>) dst(%dma_wait3A_136 : memref<128x64xf32, #tpu.memory_space<hbm>>)
      tpu.yield
    }) : () -> ()
    %add3A_65 = arith.constant 1024 : i32
    %add3A_66 = arith.addi %mul3A_2, %add3A_65 : i32
    "tpu.region"() ({
      %run_scoped3A = tpu.sem_alloc : memref<!tpu.dma_semaphore, #tpu.memory_space<semaphore_mem>>
      %dma_start3A_129 = tpu.memref_slice %arg3[%add3A_66] : memref<65536xi32, #tpu.memory_space<hbm>> -> memref<128xi32, #tpu.memory_space<hbm>>
      %dma_start3A_130 = tpu.memref_slice %arg3[%add3A_66] : memref<65536xi32, #tpu.memory_space<hbm>> -> memref<128xi32, #tpu.memory_space<hbm>>
      tpu.enqueue_dma source(%dma_start3A_130 : memref<128xi32, #tpu.memory_space<hbm>>) target(%arg5 : memref<128xi32, #tpu.memory_space<vmem>>) target_semaphore(%run_scoped3A : memref<!tpu.dma_semaphore, #tpu.memory_space<semaphore_mem>>)
      %dma_wait3A_131 = tpu.memref_slice %arg3[%add3A_66] : memref<65536xi32, #tpu.memory_space<hbm>> -> memref<128xi32, #tpu.memory_space<hbm>>
      %dma_wait3A_132 = tpu.memref_slice %arg3[%add3A_66] : memref<65536xi32, #tpu.memory_space<hbm>> -> memref<128xi32, #tpu.memory_space<hbm>>
      tpu.wait_dma2 semaphore(%run_scoped3A : memref<!tpu.dma_semaphore, #tpu.memory_space<semaphore_mem>>) src(%dma_wait3A_132 : memref<128xi32, #tpu.memory_space<hbm>>) dst(%arg5 : memref<128xi32, #tpu.memory_space<vmem>>)
      tpu.yield
    }) : () -> ()
    %dma_start3A_67 = arith.constant 0 : i32
    %dma_start3A_68 = arith.constant 0 : i32
    %dma_start3A_69 = tpu.memref_slice %arg2[%dma_start3A_67, %dma_start3A_68] : memref<1049120x64xf32, #tpu.memory_space<hbm>> -> memref<1049120x64xf32, #tpu.memory_space<hbm>>
    tpu.enqueue_indirect_dma source(%dma_start3A_69 : memref<1049120x64xf32, #tpu.memory_space<hbm>>) target(%arg6 : memref<128x64xf32, #tpu.memory_space<vmem>>) offsets(%arg5 : memref<128xi32, #tpu.memory_space<vmem>>) semaphore(%arg7 : memref<!tpu.dma_semaphore, #tpu.memory_space<semaphore_mem>>)
    %dma_wait3A_70 = arith.constant 0 : i32
    %dma_wait3A_71 = arith.constant 0 : i32
    %dma_wait3A_72 = tpu.memref_slice %arg2[%dma_wait3A_70, %dma_wait3A_71] : memref<1049120x64xf32, #tpu.memory_space<hbm>> -> memref<1049120x64xf32, #tpu.memory_space<hbm>>
    tpu.wait_indirect_dma semaphore(%arg7 : memref<!tpu.dma_semaphore, #tpu.memory_space<semaphore_mem>>) src(%dma_wait3A_72 : memref<1049120x64xf32, #tpu.memory_space<hbm>>) dst(%arg6 : memref<128x64xf32, #tpu.memory_space<vmem>>)
    "tpu.region"() ({
      %run_scoped3A = tpu.sem_alloc : memref<!tpu.dma_semaphore, #tpu.memory_space<semaphore_mem>>
      %dma_start3A_129 = arith.constant 0 : i32
      %dma_start3A_130 = tpu.memref_slice %arg4[%add3A_66, %dma_start3A_129] : memref<65536x64xf32, #tpu.memory_space<hbm>> -> memref<128x64xf32, #tpu.memory_space<hbm>>
      %dma_start3A_131 = arith.constant 0 : i32
      %dma_start3A_132 = tpu.memref_slice %arg4[%add3A_66, %dma_start3A_131] : memref<65536x64xf32, #tpu.memory_space<hbm>> -> memref<128x64xf32, #tpu.memory_space<hbm>>
      tpu.enqueue_dma source(%arg6 : memref<128x64xf32, #tpu.memory_space<vmem>>) target(%dma_start3A_132 : memref<128x64xf32, #tpu.memory_space<hbm>>) target_semaphore(%run_scoped3A : memref<!tpu.dma_semaphore, #tpu.memory_space<semaphore_mem>>)
      %dma_wait3A_133 = arith.constant 0 : i32
      %dma_wait3A_134 = tpu.memref_slice %arg4[%add3A_66, %dma_wait3A_133] : memref<65536x64xf32, #tpu.memory_space<hbm>> -> memref<128x64xf32, #tpu.memory_space<hbm>>
      %dma_wait3A_135 = arith.constant 0 : i32
      %dma_wait3A_136 = tpu.memref_slice %arg4[%add3A_66, %dma_wait3A_135] : memref<65536x64xf32, #tpu.memory_space<hbm>> -> memref<128x64xf32, #tpu.memory_space<hbm>>
      tpu.wait_dma2 semaphore(%run_scoped3A : memref<!tpu.dma_semaphore, #tpu.memory_space<semaphore_mem>>) src(%arg6 : memref<128x64xf32, #tpu.memory_space<vmem>>) dst(%dma_wait3A_136 : memref<128x64xf32, #tpu.memory_space<hbm>>)
      tpu.yield
    }) : () -> ()
    %add3A_73 = arith.constant 1152 : i32
    %add3A_74 = arith.addi %mul3A_2, %add3A_73 : i32
    "tpu.region"() ({
      %run_scoped3A = tpu.sem_alloc : memref<!tpu.dma_semaphore, #tpu.memory_space<semaphore_mem>>
      %dma_start3A_129 = tpu.memref_slice %arg3[%add3A_74] : memref<65536xi32, #tpu.memory_space<hbm>> -> memref<128xi32, #tpu.memory_space<hbm>>
      %dma_start3A_130 = tpu.memref_slice %arg3[%add3A_74] : memref<65536xi32, #tpu.memory_space<hbm>> -> memref<128xi32, #tpu.memory_space<hbm>>
      tpu.enqueue_dma source(%dma_start3A_130 : memref<128xi32, #tpu.memory_space<hbm>>) target(%arg5 : memref<128xi32, #tpu.memory_space<vmem>>) target_semaphore(%run_scoped3A : memref<!tpu.dma_semaphore, #tpu.memory_space<semaphore_mem>>)
      %dma_wait3A_131 = tpu.memref_slice %arg3[%add3A_74] : memref<65536xi32, #tpu.memory_space<hbm>> -> memref<128xi32, #tpu.memory_space<hbm>>
      %dma_wait3A_132 = tpu.memref_slice %arg3[%add3A_74] : memref<65536xi32, #tpu.memory_space<hbm>> -> memref<128xi32, #tpu.memory_space<hbm>>
      tpu.wait_dma2 semaphore(%run_scoped3A : memref<!tpu.dma_semaphore, #tpu.memory_space<semaphore_mem>>) src(%dma_wait3A_132 : memref<128xi32, #tpu.memory_space<hbm>>) dst(%arg5 : memref<128xi32, #tpu.memory_space<vmem>>)
      tpu.yield
    }) : () -> ()
    %dma_start3A_75 = arith.constant 0 : i32
    %dma_start3A_76 = arith.constant 0 : i32
    %dma_start3A_77 = tpu.memref_slice %arg2[%dma_start3A_75, %dma_start3A_76] : memref<1049120x64xf32, #tpu.memory_space<hbm>> -> memref<1049120x64xf32, #tpu.memory_space<hbm>>
    tpu.enqueue_indirect_dma source(%dma_start3A_77 : memref<1049120x64xf32, #tpu.memory_space<hbm>>) target(%arg6 : memref<128x64xf32, #tpu.memory_space<vmem>>) offsets(%arg5 : memref<128xi32, #tpu.memory_space<vmem>>) semaphore(%arg7 : memref<!tpu.dma_semaphore, #tpu.memory_space<semaphore_mem>>)
    %dma_wait3A_78 = arith.constant 0 : i32
    %dma_wait3A_79 = arith.constant 0 : i32
    %dma_wait3A_80 = tpu.memref_slice %arg2[%dma_wait3A_78, %dma_wait3A_79] : memref<1049120x64xf32, #tpu.memory_space<hbm>> -> memref<1049120x64xf32, #tpu.memory_space<hbm>>
    tpu.wait_indirect_dma semaphore(%arg7 : memref<!tpu.dma_semaphore, #tpu.memory_space<semaphore_mem>>) src(%dma_wait3A_80 : memref<1049120x64xf32, #tpu.memory_space<hbm>>) dst(%arg6 : memref<128x64xf32, #tpu.memory_space<vmem>>)
    "tpu.region"() ({
      %run_scoped3A = tpu.sem_alloc : memref<!tpu.dma_semaphore, #tpu.memory_space<semaphore_mem>>
      %dma_start3A_129 = arith.constant 0 : i32
      %dma_start3A_130 = tpu.memref_slice %arg4[%add3A_74, %dma_start3A_129] : memref<65536x64xf32, #tpu.memory_space<hbm>> -> memref<128x64xf32, #tpu.memory_space<hbm>>
      %dma_start3A_131 = arith.constant 0 : i32
      %dma_start3A_132 = tpu.memref_slice %arg4[%add3A_74, %dma_start3A_131] : memref<65536x64xf32, #tpu.memory_space<hbm>> -> memref<128x64xf32, #tpu.memory_space<hbm>>
      tpu.enqueue_dma source(%arg6 : memref<128x64xf32, #tpu.memory_space<vmem>>) target(%dma_start3A_132 : memref<128x64xf32, #tpu.memory_space<hbm>>) target_semaphore(%run_scoped3A : memref<!tpu.dma_semaphore, #tpu.memory_space<semaphore_mem>>)
      %dma_wait3A_133 = arith.constant 0 : i32
      %dma_wait3A_134 = tpu.memref_slice %arg4[%add3A_74, %dma_wait3A_133] : memref<65536x64xf32, #tpu.memory_space<hbm>> -> memref<128x64xf32, #tpu.memory_space<hbm>>
      %dma_wait3A_135 = arith.constant 0 : i32
      %dma_wait3A_136 = tpu.memref_slice %arg4[%add3A_74, %dma_wait3A_135] : memref<65536x64xf32, #tpu.memory_space<hbm>> -> memref<128x64xf32, #tpu.memory_space<hbm>>
      tpu.wait_dma2 semaphore(%run_scoped3A : memref<!tpu.dma_semaphore, #tpu.memory_space<semaphore_mem>>) src(%arg6 : memref<128x64xf32, #tpu.memory_space<vmem>>) dst(%dma_wait3A_136 : memref<128x64xf32, #tpu.memory_space<hbm>>)
      tpu.yield
    }) : () -> ()
    %add3A_81 = arith.constant 1280 : i32
    %add3A_82 = arith.addi %mul3A_2, %add3A_81 : i32
    "tpu.region"() ({
      %run_scoped3A = tpu.sem_alloc : memref<!tpu.dma_semaphore, #tpu.memory_space<semaphore_mem>>
      %dma_start3A_129 = tpu.memref_slice %arg3[%add3A_82] : memref<65536xi32, #tpu.memory_space<hbm>> -> memref<128xi32, #tpu.memory_space<hbm>>
      %dma_start3A_130 = tpu.memref_slice %arg3[%add3A_82] : memref<65536xi32, #tpu.memory_space<hbm>> -> memref<128xi32, #tpu.memory_space<hbm>>
      tpu.enqueue_dma source(%dma_start3A_130 : memref<128xi32, #tpu.memory_space<hbm>>) target(%arg5 : memref<128xi32, #tpu.memory_space<vmem>>) target_semaphore(%run_scoped3A : memref<!tpu.dma_semaphore, #tpu.memory_space<semaphore_mem>>)
      %dma_wait3A_131 = tpu.memref_slice %arg3[%add3A_82] : memref<65536xi32, #tpu.memory_space<hbm>> -> memref<128xi32, #tpu.memory_space<hbm>>
      %dma_wait3A_132 = tpu.memref_slice %arg3[%add3A_82] : memref<65536xi32, #tpu.memory_space<hbm>> -> memref<128xi32, #tpu.memory_space<hbm>>
      tpu.wait_dma2 semaphore(%run_scoped3A : memref<!tpu.dma_semaphore, #tpu.memory_space<semaphore_mem>>) src(%dma_wait3A_132 : memref<128xi32, #tpu.memory_space<hbm>>) dst(%arg5 : memref<128xi32, #tpu.memory_space<vmem>>)
      tpu.yield
    }) : () -> ()
    %dma_start3A_83 = arith.constant 0 : i32
    %dma_start3A_84 = arith.constant 0 : i32
    %dma_start3A_85 = tpu.memref_slice %arg2[%dma_start3A_83, %dma_start3A_84] : memref<1049120x64xf32, #tpu.memory_space<hbm>> -> memref<1049120x64xf32, #tpu.memory_space<hbm>>
    tpu.enqueue_indirect_dma source(%dma_start3A_85 : memref<1049120x64xf32, #tpu.memory_space<hbm>>) target(%arg6 : memref<128x64xf32, #tpu.memory_space<vmem>>) offsets(%arg5 : memref<128xi32, #tpu.memory_space<vmem>>) semaphore(%arg7 : memref<!tpu.dma_semaphore, #tpu.memory_space<semaphore_mem>>)
    %dma_wait3A_86 = arith.constant 0 : i32
    %dma_wait3A_87 = arith.constant 0 : i32
    %dma_wait3A_88 = tpu.memref_slice %arg2[%dma_wait3A_86, %dma_wait3A_87] : memref<1049120x64xf32, #tpu.memory_space<hbm>> -> memref<1049120x64xf32, #tpu.memory_space<hbm>>
    tpu.wait_indirect_dma semaphore(%arg7 : memref<!tpu.dma_semaphore, #tpu.memory_space<semaphore_mem>>) src(%dma_wait3A_88 : memref<1049120x64xf32, #tpu.memory_space<hbm>>) dst(%arg6 : memref<128x64xf32, #tpu.memory_space<vmem>>)
    "tpu.region"() ({
      %run_scoped3A = tpu.sem_alloc : memref<!tpu.dma_semaphore, #tpu.memory_space<semaphore_mem>>
      %dma_start3A_129 = arith.constant 0 : i32
      %dma_start3A_130 = tpu.memref_slice %arg4[%add3A_82, %dma_start3A_129] : memref<65536x64xf32, #tpu.memory_space<hbm>> -> memref<128x64xf32, #tpu.memory_space<hbm>>
      %dma_start3A_131 = arith.constant 0 : i32
      %dma_start3A_132 = tpu.memref_slice %arg4[%add3A_82, %dma_start3A_131] : memref<65536x64xf32, #tpu.memory_space<hbm>> -> memref<128x64xf32, #tpu.memory_space<hbm>>
      tpu.enqueue_dma source(%arg6 : memref<128x64xf32, #tpu.memory_space<vmem>>) target(%dma_start3A_132 : memref<128x64xf32, #tpu.memory_space<hbm>>) target_semaphore(%run_scoped3A : memref<!tpu.dma_semaphore, #tpu.memory_space<semaphore_mem>>)
      %dma_wait3A_133 = arith.constant 0 : i32
      %dma_wait3A_134 = tpu.memref_slice %arg4[%add3A_82, %dma_wait3A_133] : memref<65536x64xf32, #tpu.memory_space<hbm>> -> memref<128x64xf32, #tpu.memory_space<hbm>>
      %dma_wait3A_135 = arith.constant 0 : i32
      %dma_wait3A_136 = tpu.memref_slice %arg4[%add3A_82, %dma_wait3A_135] : memref<65536x64xf32, #tpu.memory_space<hbm>> -> memref<128x64xf32, #tpu.memory_space<hbm>>
      tpu.wait_dma2 semaphore(%run_scoped3A : memref<!tpu.dma_semaphore, #tpu.memory_space<semaphore_mem>>) src(%arg6 : memref<128x64xf32, #tpu.memory_space<vmem>>) dst(%dma_wait3A_136 : memref<128x64xf32, #tpu.memory_space<hbm>>)
      tpu.yield
    }) : () -> ()
    %add3A_89 = arith.constant 1408 : i32
    %add3A_90 = arith.addi %mul3A_2, %add3A_89 : i32
    "tpu.region"() ({
      %run_scoped3A = tpu.sem_alloc : memref<!tpu.dma_semaphore, #tpu.memory_space<semaphore_mem>>
      %dma_start3A_129 = tpu.memref_slice %arg3[%add3A_90] : memref<65536xi32, #tpu.memory_space<hbm>> -> memref<128xi32, #tpu.memory_space<hbm>>
      %dma_start3A_130 = tpu.memref_slice %arg3[%add3A_90] : memref<65536xi32, #tpu.memory_space<hbm>> -> memref<128xi32, #tpu.memory_space<hbm>>
      tpu.enqueue_dma source(%dma_start3A_130 : memref<128xi32, #tpu.memory_space<hbm>>) target(%arg5 : memref<128xi32, #tpu.memory_space<vmem>>) target_semaphore(%run_scoped3A : memref<!tpu.dma_semaphore, #tpu.memory_space<semaphore_mem>>)
      %dma_wait3A_131 = tpu.memref_slice %arg3[%add3A_90] : memref<65536xi32, #tpu.memory_space<hbm>> -> memref<128xi32, #tpu.memory_space<hbm>>
      %dma_wait3A_132 = tpu.memref_slice %arg3[%add3A_90] : memref<65536xi32, #tpu.memory_space<hbm>> -> memref<128xi32, #tpu.memory_space<hbm>>
      tpu.wait_dma2 semaphore(%run_scoped3A : memref<!tpu.dma_semaphore, #tpu.memory_space<semaphore_mem>>) src(%dma_wait3A_132 : memref<128xi32, #tpu.memory_space<hbm>>) dst(%arg5 : memref<128xi32, #tpu.memory_space<vmem>>)
      tpu.yield
    }) : () -> ()
    %dma_start3A_91 = arith.constant 0 : i32
    %dma_start3A_92 = arith.constant 0 : i32
    %dma_start3A_93 = tpu.memref_slice %arg2[%dma_start3A_91, %dma_start3A_92] : memref<1049120x64xf32, #tpu.memory_space<hbm>> -> memref<1049120x64xf32, #tpu.memory_space<hbm>>
    tpu.enqueue_indirect_dma source(%dma_start3A_93 : memref<1049120x64xf32, #tpu.memory_space<hbm>>) target(%arg6 : memref<128x64xf32, #tpu.memory_space<vmem>>) offsets(%arg5 : memref<128xi32, #tpu.memory_space<vmem>>) semaphore(%arg7 : memref<!tpu.dma_semaphore, #tpu.memory_space<semaphore_mem>>)
    %dma_wait3A_94 = arith.constant 0 : i32
    %dma_wait3A_95 = arith.constant 0 : i32
    %dma_wait3A_96 = tpu.memref_slice %arg2[%dma_wait3A_94, %dma_wait3A_95] : memref<1049120x64xf32, #tpu.memory_space<hbm>> -> memref<1049120x64xf32, #tpu.memory_space<hbm>>
    tpu.wait_indirect_dma semaphore(%arg7 : memref<!tpu.dma_semaphore, #tpu.memory_space<semaphore_mem>>) src(%dma_wait3A_96 : memref<1049120x64xf32, #tpu.memory_space<hbm>>) dst(%arg6 : memref<128x64xf32, #tpu.memory_space<vmem>>)
    "tpu.region"() ({
      %run_scoped3A = tpu.sem_alloc : memref<!tpu.dma_semaphore, #tpu.memory_space<semaphore_mem>>
      %dma_start3A_129 = arith.constant 0 : i32
      %dma_start3A_130 = tpu.memref_slice %arg4[%add3A_90, %dma_start3A_129] : memref<65536x64xf32, #tpu.memory_space<hbm>> -> memref<128x64xf32, #tpu.memory_space<hbm>>
      %dma_start3A_131 = arith.constant 0 : i32
      %dma_start3A_132 = tpu.memref_slice %arg4[%add3A_90, %dma_start3A_131] : memref<65536x64xf32, #tpu.memory_space<hbm>> -> memref<128x64xf32, #tpu.memory_space<hbm>>
      tpu.enqueue_dma source(%arg6 : memref<128x64xf32, #tpu.memory_space<vmem>>) target(%dma_start3A_132 : memref<128x64xf32, #tpu.memory_space<hbm>>) target_semaphore(%run_scoped3A : memref<!tpu.dma_semaphore, #tpu.memory_space<semaphore_mem>>)
      %dma_wait3A_133 = arith.constant 0 : i32
      %dma_wait3A_134 = tpu.memref_slice %arg4[%add3A_90, %dma_wait3A_133] : memref<65536x64xf32, #tpu.memory_space<hbm>> -> memref<128x64xf32, #tpu.memory_space<hbm>>
      %dma_wait3A_135 = arith.constant 0 : i32
      %dma_wait3A_136 = tpu.memref_slice %arg4[%add3A_90, %dma_wait3A_135] : memref<65536x64xf32, #tpu.memory_space<hbm>> -> memref<128x64xf32, #tpu.memory_space<hbm>>
      tpu.wait_dma2 semaphore(%run_scoped3A : memref<!tpu.dma_semaphore, #tpu.memory_space<semaphore_mem>>) src(%arg6 : memref<128x64xf32, #tpu.memory_space<vmem>>) dst(%dma_wait3A_136 : memref<128x64xf32, #tpu.memory_space<hbm>>)
      tpu.yield
    }) : () -> ()
    %add3A_97 = arith.constant 1536 : i32
    %add3A_98 = arith.addi %mul3A_2, %add3A_97 : i32
    "tpu.region"() ({
      %run_scoped3A = tpu.sem_alloc : memref<!tpu.dma_semaphore, #tpu.memory_space<semaphore_mem>>
      %dma_start3A_129 = tpu.memref_slice %arg3[%add3A_98] : memref<65536xi32, #tpu.memory_space<hbm>> -> memref<128xi32, #tpu.memory_space<hbm>>
      %dma_start3A_130 = tpu.memref_slice %arg3[%add3A_98] : memref<65536xi32, #tpu.memory_space<hbm>> -> memref<128xi32, #tpu.memory_space<hbm>>
      tpu.enqueue_dma source(%dma_start3A_130 : memref<128xi32, #tpu.memory_space<hbm>>) target(%arg5 : memref<128xi32, #tpu.memory_space<vmem>>) target_semaphore(%run_scoped3A : memref<!tpu.dma_semaphore, #tpu.memory_space<semaphore_mem>>)
      %dma_wait3A_131 = tpu.memref_slice %arg3[%add3A_98] : memref<65536xi32, #tpu.memory_space<hbm>> -> memref<128xi32, #tpu.memory_space<hbm>>
      %dma_wait3A_132 = tpu.memref_slice %arg3[%add3A_98] : memref<65536xi32, #tpu.memory_space<hbm>> -> memref<128xi32, #tpu.memory_space<hbm>>
      tpu.wait_dma2 semaphore(%run_scoped3A : memref<!tpu.dma_semaphore, #tpu.memory_space<semaphore_mem>>) src(%dma_wait3A_132 : memref<128xi32, #tpu.memory_space<hbm>>) dst(%arg5 : memref<128xi32, #tpu.memory_space<vmem>>)
      tpu.yield
    }) : () -> ()
    %dma_start3A_99 = arith.constant 0 : i32
    %dma_start3A_100 = arith.constant 0 : i32
    %dma_start3A_101 = tpu.memref_slice %arg2[%dma_start3A_99, %dma_start3A_100] : memref<1049120x64xf32, #tpu.memory_space<hbm>> -> memref<1049120x64xf32, #tpu.memory_space<hbm>>
    tpu.enqueue_indirect_dma source(%dma_start3A_101 : memref<1049120x64xf32, #tpu.memory_space<hbm>>) target(%arg6 : memref<128x64xf32, #tpu.memory_space<vmem>>) offsets(%arg5 : memref<128xi32, #tpu.memory_space<vmem>>) semaphore(%arg7 : memref<!tpu.dma_semaphore, #tpu.memory_space<semaphore_mem>>)
    %dma_wait3A_102 = arith.constant 0 : i32
    %dma_wait3A_103 = arith.constant 0 : i32
    %dma_wait3A_104 = tpu.memref_slice %arg2[%dma_wait3A_102, %dma_wait3A_103] : memref<1049120x64xf32, #tpu.memory_space<hbm>> -> memref<1049120x64xf32, #tpu.memory_space<hbm>>
    tpu.wait_indirect_dma semaphore(%arg7 : memref<!tpu.dma_semaphore, #tpu.memory_space<semaphore_mem>>) src(%dma_wait3A_104 : memref<1049120x64xf32, #tpu.memory_space<hbm>>) dst(%arg6 : memref<128x64xf32, #tpu.memory_space<vmem>>)
    "tpu.region"() ({
      %run_scoped3A = tpu.sem_alloc : memref<!tpu.dma_semaphore, #tpu.memory_space<semaphore_mem>>
      %dma_start3A_129 = arith.constant 0 : i32
      %dma_start3A_130 = tpu.memref_slice %arg4[%add3A_98, %dma_start3A_129] : memref<65536x64xf32, #tpu.memory_space<hbm>> -> memref<128x64xf32, #tpu.memory_space<hbm>>
      %dma_start3A_131 = arith.constant 0 : i32
      %dma_start3A_132 = tpu.memref_slice %arg4[%add3A_98, %dma_start3A_131] : memref<65536x64xf32, #tpu.memory_space<hbm>> -> memref<128x64xf32, #tpu.memory_space<hbm>>
      tpu.enqueue_dma source(%arg6 : memref<128x64xf32, #tpu.memory_space<vmem>>) target(%dma_start3A_132 : memref<128x64xf32, #tpu.memory_space<hbm>>) target_semaphore(%run_scoped3A : memref<!tpu.dma_semaphore, #tpu.memory_space<semaphore_mem>>)
      %dma_wait3A_133 = arith.constant 0 : i32
      %dma_wait3A_134 = tpu.memref_slice %arg4[%add3A_98, %dma_wait3A_133] : memref<65536x64xf32, #tpu.memory_space<hbm>> -> memref<128x64xf32, #tpu.memory_space<hbm>>
      %dma_wait3A_135 = arith.constant 0 : i32
      %dma_wait3A_136 = tpu.memref_slice %arg4[%add3A_98, %dma_wait3A_135] : memref<65536x64xf32, #tpu.memory_space<hbm>> -> memref<128x64xf32, #tpu.memory_space<hbm>>
      tpu.wait_dma2 semaphore(%run_scoped3A : memref<!tpu.dma_semaphore, #tpu.memory_space<semaphore_mem>>) src(%arg6 : memref<128x64xf32, #tpu.memory_space<vmem>>) dst(%dma_wait3A_136 : memref<128x64xf32, #tpu.memory_space<hbm>>)
      tpu.yield
    }) : () -> ()
    %add3A_105 = arith.constant 1664 : i32
    %add3A_106 = arith.addi %mul3A_2, %add3A_105 : i32
    "tpu.region"() ({
      %run_scoped3A = tpu.sem_alloc : memref<!tpu.dma_semaphore, #tpu.memory_space<semaphore_mem>>
      %dma_start3A_129 = tpu.memref_slice %arg3[%add3A_106] : memref<65536xi32, #tpu.memory_space<hbm>> -> memref<128xi32, #tpu.memory_space<hbm>>
      %dma_start3A_130 = tpu.memref_slice %arg3[%add3A_106] : memref<65536xi32, #tpu.memory_space<hbm>> -> memref<128xi32, #tpu.memory_space<hbm>>
      tpu.enqueue_dma source(%dma_start3A_130 : memref<128xi32, #tpu.memory_space<hbm>>) target(%arg5 : memref<128xi32, #tpu.memory_space<vmem>>) target_semaphore(%run_scoped3A : memref<!tpu.dma_semaphore, #tpu.memory_space<semaphore_mem>>)
      %dma_wait3A_131 = tpu.memref_slice %arg3[%add3A_106] : memref<65536xi32, #tpu.memory_space<hbm>> -> memref<128xi32, #tpu.memory_space<hbm>>
      %dma_wait3A_132 = tpu.memref_slice %arg3[%add3A_106] : memref<65536xi32, #tpu.memory_space<hbm>> -> memref<128xi32, #tpu.memory_space<hbm>>
      tpu.wait_dma2 semaphore(%run_scoped3A : memref<!tpu.dma_semaphore, #tpu.memory_space<semaphore_mem>>) src(%dma_wait3A_132 : memref<128xi32, #tpu.memory_space<hbm>>) dst(%arg5 : memref<128xi32, #tpu.memory_space<vmem>>)
      tpu.yield
    }) : () -> ()
    %dma_start3A_107 = arith.constant 0 : i32
    %dma_start3A_108 = arith.constant 0 : i32
    %dma_start3A_109 = tpu.memref_slice %arg2[%dma_start3A_107, %dma_start3A_108] : memref<1049120x64xf32, #tpu.memory_space<hbm>> -> memref<1049120x64xf32, #tpu.memory_space<hbm>>
    tpu.enqueue_indirect_dma source(%dma_start3A_109 : memref<1049120x64xf32, #tpu.memory_space<hbm>>) target(%arg6 : memref<128x64xf32, #tpu.memory_space<vmem>>) offsets(%arg5 : memref<128xi32, #tpu.memory_space<vmem>>) semaphore(%arg7 : memref<!tpu.dma_semaphore, #tpu.memory_space<semaphore_mem>>)
    %dma_wait3A_110 = arith.constant 0 : i32
    %dma_wait3A_111 = arith.constant 0 : i32
    %dma_wait3A_112 = tpu.memref_slice %arg2[%dma_wait3A_110, %dma_wait3A_111] : memref<1049120x64xf32, #tpu.memory_space<hbm>> -> memref<1049120x64xf32, #tpu.memory_space<hbm>>
    tpu.wait_indirect_dma semaphore(%arg7 : memref<!tpu.dma_semaphore, #tpu.memory_space<semaphore_mem>>) src(%dma_wait3A_112 : memref<1049120x64xf32, #tpu.memory_space<hbm>>) dst(%arg6 : memref<128x64xf32, #tpu.memory_space<vmem>>)
    "tpu.region"() ({
      %run_scoped3A = tpu.sem_alloc : memref<!tpu.dma_semaphore, #tpu.memory_space<semaphore_mem>>
      %dma_start3A_129 = arith.constant 0 : i32
      %dma_start3A_130 = tpu.memref_slice %arg4[%add3A_106, %dma_start3A_129] : memref<65536x64xf32, #tpu.memory_space<hbm>> -> memref<128x64xf32, #tpu.memory_space<hbm>>
      %dma_start3A_131 = arith.constant 0 : i32
      %dma_start3A_132 = tpu.memref_slice %arg4[%add3A_106, %dma_start3A_131] : memref<65536x64xf32, #tpu.memory_space<hbm>> -> memref<128x64xf32, #tpu.memory_space<hbm>>
      tpu.enqueue_dma source(%arg6 : memref<128x64xf32, #tpu.memory_space<vmem>>) target(%dma_start3A_132 : memref<128x64xf32, #tpu.memory_space<hbm>>) target_semaphore(%run_scoped3A : memref<!tpu.dma_semaphore, #tpu.memory_space<semaphore_mem>>)
      %dma_wait3A_133 = arith.constant 0 : i32
      %dma_wait3A_134 = tpu.memref_slice %arg4[%add3A_106, %dma_wait3A_133] : memref<65536x64xf32, #tpu.memory_space<hbm>> -> memref<128x64xf32, #tpu.memory_space<hbm>>
      %dma_wait3A_135 = arith.constant 0 : i32
      %dma_wait3A_136 = tpu.memref_slice %arg4[%add3A_106, %dma_wait3A_135] : memref<65536x64xf32, #tpu.memory_space<hbm>> -> memref<128x64xf32, #tpu.memory_space<hbm>>
      tpu.wait_dma2 semaphore(%run_scoped3A : memref<!tpu.dma_semaphore, #tpu.memory_space<semaphore_mem>>) src(%arg6 : memref<128x64xf32, #tpu.memory_space<vmem>>) dst(%dma_wait3A_136 : memref<128x64xf32, #tpu.memory_space<hbm>>)
      tpu.yield
    }) : () -> ()
    %add3A_113 = arith.constant 1792 : i32
    %add3A_114 = arith.addi %mul3A_2, %add3A_113 : i32
    "tpu.region"() ({
      %run_scoped3A = tpu.sem_alloc : memref<!tpu.dma_semaphore, #tpu.memory_space<semaphore_mem>>
      %dma_start3A_129 = tpu.memref_slice %arg3[%add3A_114] : memref<65536xi32, #tpu.memory_space<hbm>> -> memref<128xi32, #tpu.memory_space<hbm>>
      %dma_start3A_130 = tpu.memref_slice %arg3[%add3A_114] : memref<65536xi32, #tpu.memory_space<hbm>> -> memref<128xi32, #tpu.memory_space<hbm>>
      tpu.enqueue_dma source(%dma_start3A_130 : memref<128xi32, #tpu.memory_space<hbm>>) target(%arg5 : memref<128xi32, #tpu.memory_space<vmem>>) target_semaphore(%run_scoped3A : memref<!tpu.dma_semaphore, #tpu.memory_space<semaphore_mem>>)
      %dma_wait3A_131 = tpu.memref_slice %arg3[%add3A_114] : memref<65536xi32, #tpu.memory_space<hbm>> -> memref<128xi32, #tpu.memory_space<hbm>>
      %dma_wait3A_132 = tpu.memref_slice %arg3[%add3A_114] : memref<65536xi32, #tpu.memory_space<hbm>> -> memref<128xi32, #tpu.memory_space<hbm>>
      tpu.wait_dma2 semaphore(%run_scoped3A : memref<!tpu.dma_semaphore, #tpu.memory_space<semaphore_mem>>) src(%dma_wait3A_132 : memref<128xi32, #tpu.memory_space<hbm>>) dst(%arg5 : memref<128xi32, #tpu.memory_space<vmem>>)
      tpu.yield
    }) : () -> ()
    %dma_start3A_115 = arith.constant 0 : i32
    %dma_start3A_116 = arith.constant 0 : i32
    %dma_start3A_117 = tpu.memref_slice %arg2[%dma_start3A_115, %dma_start3A_116] : memref<1049120x64xf32, #tpu.memory_space<hbm>> -> memref<1049120x64xf32, #tpu.memory_space<hbm>>
    tpu.enqueue_indirect_dma source(%dma_start3A_117 : memref<1049120x64xf32, #tpu.memory_space<hbm>>) target(%arg6 : memref<128x64xf32, #tpu.memory_space<vmem>>) offsets(%arg5 : memref<128xi32, #tpu.memory_space<vmem>>) semaphore(%arg7 : memref<!tpu.dma_semaphore, #tpu.memory_space<semaphore_mem>>)
    %dma_wait3A_118 = arith.constant 0 : i32
    %dma_wait3A_119 = arith.constant 0 : i32
    %dma_wait3A_120 = tpu.memref_slice %arg2[%dma_wait3A_118, %dma_wait3A_119] : memref<1049120x64xf32, #tpu.memory_space<hbm>> -> memref<1049120x64xf32, #tpu.memory_space<hbm>>
    tpu.wait_indirect_dma semaphore(%arg7 : memref<!tpu.dma_semaphore, #tpu.memory_space<semaphore_mem>>) src(%dma_wait3A_120 : memref<1049120x64xf32, #tpu.memory_space<hbm>>) dst(%arg6 : memref<128x64xf32, #tpu.memory_space<vmem>>)
    "tpu.region"() ({
      %run_scoped3A = tpu.sem_alloc : memref<!tpu.dma_semaphore, #tpu.memory_space<semaphore_mem>>
      %dma_start3A_129 = arith.constant 0 : i32
      %dma_start3A_130 = tpu.memref_slice %arg4[%add3A_114, %dma_start3A_129] : memref<65536x64xf32, #tpu.memory_space<hbm>> -> memref<128x64xf32, #tpu.memory_space<hbm>>
      %dma_start3A_131 = arith.constant 0 : i32
      %dma_start3A_132 = tpu.memref_slice %arg4[%add3A_114, %dma_start3A_131] : memref<65536x64xf32, #tpu.memory_space<hbm>> -> memref<128x64xf32, #tpu.memory_space<hbm>>
      tpu.enqueue_dma source(%arg6 : memref<128x64xf32, #tpu.memory_space<vmem>>) target(%dma_start3A_132 : memref<128x64xf32, #tpu.memory_space<hbm>>) target_semaphore(%run_scoped3A : memref<!tpu.dma_semaphore, #tpu.memory_space<semaphore_mem>>)
      %dma_wait3A_133 = arith.constant 0 : i32
      %dma_wait3A_134 = tpu.memref_slice %arg4[%add3A_114, %dma_wait3A_133] : memref<65536x64xf32, #tpu.memory_space<hbm>> -> memref<128x64xf32, #tpu.memory_space<hbm>>
      %dma_wait3A_135 = arith.constant 0 : i32
      %dma_wait3A_136 = tpu.memref_slice %arg4[%add3A_114, %dma_wait3A_135] : memref<65536x64xf32, #tpu.memory_space<hbm>> -> memref<128x64xf32, #tpu.memory_space<hbm>>
      tpu.wait_dma2 semaphore(%run_scoped3A : memref<!tpu.dma_semaphore, #tpu.memory_space<semaphore_mem>>) src(%arg6 : memref<128x64xf32, #tpu.memory_space<vmem>>) dst(%dma_wait3A_136 : memref<128x64xf32, #tpu.memory_space<hbm>>)
      tpu.yield
    }) : () -> ()
    %add3A_121 = arith.constant 1920 : i32
    %add3A_122 = arith.addi %mul3A_2, %add3A_121 : i32
    "tpu.region"() ({
      %run_scoped3A = tpu.sem_alloc : memref<!tpu.dma_semaphore, #tpu.memory_space<semaphore_mem>>
      %dma_start3A_129 = tpu.memref_slice %arg3[%add3A_122] : memref<65536xi32, #tpu.memory_space<hbm>> -> memref<128xi32, #tpu.memory_space<hbm>>
      %dma_start3A_130 = tpu.memref_slice %arg3[%add3A_122] : memref<65536xi32, #tpu.memory_space<hbm>> -> memref<128xi32, #tpu.memory_space<hbm>>
      tpu.enqueue_dma source(%dma_start3A_130 : memref<128xi32, #tpu.memory_space<hbm>>) target(%arg5 : memref<128xi32, #tpu.memory_space<vmem>>) target_semaphore(%run_scoped3A : memref<!tpu.dma_semaphore, #tpu.memory_space<semaphore_mem>>)
      %dma_wait3A_131 = tpu.memref_slice %arg3[%add3A_122] : memref<65536xi32, #tpu.memory_space<hbm>> -> memref<128xi32, #tpu.memory_space<hbm>>
      %dma_wait3A_132 = tpu.memref_slice %arg3[%add3A_122] : memref<65536xi32, #tpu.memory_space<hbm>> -> memref<128xi32, #tpu.memory_space<hbm>>
      tpu.wait_dma2 semaphore(%run_scoped3A : memref<!tpu.dma_semaphore, #tpu.memory_space<semaphore_mem>>) src(%dma_wait3A_132 : memref<128xi32, #tpu.memory_space<hbm>>) dst(%arg5 : memref<128xi32, #tpu.memory_space<vmem>>)
      tpu.yield
    }) : () -> ()
    %dma_start3A_123 = arith.constant 0 : i32
    %dma_start3A_124 = arith.constant 0 : i32
    %dma_start3A_125 = tpu.memref_slice %arg2[%dma_start3A_123, %dma_start3A_124] : memref<1049120x64xf32, #tpu.memory_space<hbm>> -> memref<1049120x64xf32, #tpu.memory_space<hbm>>
    tpu.enqueue_indirect_dma source(%dma_start3A_125 : memref<1049120x64xf32, #tpu.memory_space<hbm>>) target(%arg6 : memref<128x64xf32, #tpu.memory_space<vmem>>) offsets(%arg5 : memref<128xi32, #tpu.memory_space<vmem>>) semaphore(%arg7 : memref<!tpu.dma_semaphore, #tpu.memory_space<semaphore_mem>>)
    %dma_wait3A_126 = arith.constant 0 : i32
    %dma_wait3A_127 = arith.constant 0 : i32
    %dma_wait3A_128 = tpu.memref_slice %arg2[%dma_wait3A_126, %dma_wait3A_127] : memref<1049120x64xf32, #tpu.memory_space<hbm>> -> memref<1049120x64xf32, #tpu.memory_space<hbm>>
    tpu.wait_indirect_dma semaphore(%arg7 : memref<!tpu.dma_semaphore, #tpu.memory_space<semaphore_mem>>) src(%dma_wait3A_128 : memref<1049120x64xf32, #tpu.memory_space<hbm>>) dst(%arg6 : memref<128x64xf32, #tpu.memory_space<vmem>>)
    "tpu.region"() ({
      %run_scoped3A = tpu.sem_alloc : memref<!tpu.dma_semaphore, #tpu.memory_space<semaphore_mem>>
      %dma_start3A_129 = arith.constant 0 : i32
      %dma_start3A_130 = tpu.memref_slice %arg4[%add3A_122, %dma_start3A_129] : memref<65536x64xf32, #tpu.memory_space<hbm>> -> memref<128x64xf32, #tpu.memory_space<hbm>>
      %dma_start3A_131 = arith.constant 0 : i32
      %dma_start3A_132 = tpu.memref_slice %arg4[%add3A_122, %dma_start3A_131] : memref<65536x64xf32, #tpu.memory_space<hbm>> -> memref<128x64xf32, #tpu.memory_space<hbm>>
      tpu.enqueue_dma source(%arg6 : memref<128x64xf32, #tpu.memory_space<vmem>>) target(%dma_start3A_132 : memref<128x64xf32, #tpu.memory_space<hbm>>) target_semaphore(%run_scoped3A : memref<!tpu.dma_semaphore, #tpu.memory_space<semaphore_mem>>)
      %dma_wait3A_133 = arith.constant 0 : i32
      %dma_wait3A_134 = tpu.memref_slice %arg4[%add3A_122, %dma_wait3A_133] : memref<65536x64xf32, #tpu.memory_space<hbm>> -> memref<128x64xf32, #tpu.memory_space<hbm>>
      %dma_wait3A_135 = arith.constant 0 : i32
      %dma_wait3A_136 = tpu.memref_slice %arg4[%add3A_122, %dma_wait3A_135] : memref<65536x64xf32, #tpu.memory_space<hbm>> -> memref<128x64xf32, #tpu.memory_space<hbm>>
      tpu.wait_dma2 semaphore(%run_scoped3A : memref<!tpu.dma_semaphore, #tpu.memory_space<semaphore_mem>>) src(%arg6 : memref<128x64xf32, #tpu.memory_space<vmem>>) dst(%dma_wait3A_136 : memref<128x64xf32, #tpu.memory_space<hbm>>)
      tpu.yield
    }) : () -> ()
    return
  }
}

module attributes {stable_mosaic.version = 14 : i64} {
  func.func @_hash_body(%arg0: memref<3x64x128xi32, #tpu.memory_space<vmem>>, %arg1: memref<3x3xi32, #tpu.memory_space<smem>>, %arg2: memref<8x8xi32, #tpu.memory_space<smem>>, %arg3: memref<8xi32, #tpu.memory_space<smem>>, %arg4: memref<8xi32, #tpu.memory_space<smem>>, %arg5: memref<8x64x128xi32, #tpu.memory_space<vmem>>) attributes {dimension_semantics = [], scalar_prefetch = 0 : i64, scratch_operands = 0 : i64, tpu.core_type = #tpu.core_type<tc>} {
    %get3A = arith.constant 0 : index
    %get3A_0 = arith.constant 0 : index
    %get3A_1 = arith.constant 0 : index
    %get3A_2 = vector.load %arg0[%get3A, %get3A_0, %get3A_1] : memref<3x64x128xi32, #tpu.memory_space<vmem>>, vector<1x64x128xi32>
    %get3A_3 = vector.shape_cast %get3A_2 : vector<1x64x128xi32> to vector<64x128xi32>
    %get3A_4 = arith.constant 0 : index
    %get3A_5 = arith.constant 0 : index
    %get3A_6 = memref.load %arg1[%get3A_4, %get3A_5] : memref<3x3xi32, #tpu.memory_space<smem>>
    %get3A_7 = arith.constant 0 : index
    %get3A_8 = arith.constant 1 : index
    %get3A_9 = memref.load %arg1[%get3A_7, %get3A_8] : memref<3x3xi32, #tpu.memory_space<smem>>
    %get3A_10 = arith.constant 0 : index
    %get3A_11 = arith.constant 2 : index
    %get3A_12 = memref.load %arg1[%get3A_10, %get3A_11] : memref<3x3xi32, #tpu.memory_space<smem>>
    %mul3A = vector.broadcast %get3A_6 : i32 to vector<64x128xi32>
    %mul3A_13 = arith.muli %get3A_3, %mul3A : vector<64x128xi32>
    %mul3A_14 = vector.broadcast %get3A_9 : i32 to vector<64x128xi32>
    %mul3A_15 = arith.muli %get3A_3, %mul3A_14 : vector<64x128xi32>
    %mul3A_16 = vector.broadcast %get3A_12 : i32 to vector<64x128xi32>
    %mul3A_17 = arith.muli %get3A_3, %mul3A_16 : vector<64x128xi32>
    %and3A = arith.constant 65535 : i32
    %and3A_18 = vector.broadcast %and3A : i32 to vector<64x128xi32>
    %and3A_19 = arith.andi %mul3A_13, %and3A_18 : vector<64x128xi32>
    %shift_right_logical3A = arith.constant 16 : i32
    %shift_right_logical3A_20 = vector.broadcast %shift_right_logical3A : i32 to vector<64x128xi32>
    %shift_right_logical3A_21 = arith.shrui %mul3A_13, %shift_right_logical3A_20 : vector<64x128xi32>
    %and3A_22 = arith.constant 65535 : i32
    %and3A_23 = vector.broadcast %and3A_22 : i32 to vector<64x128xi32>
    %and3A_24 = arith.andi %mul3A_15, %and3A_23 : vector<64x128xi32>
    %add3A = arith.addi %shift_right_logical3A_21, %and3A_24 : vector<64x128xi32>
    %and3A_25 = arith.constant 65535 : i32
    %and3A_26 = vector.broadcast %and3A_25 : i32 to vector<64x128xi32>
    %and3A_27 = arith.andi %add3A, %and3A_26 : vector<64x128xi32>
    %shift_right_logical3A_28 = arith.constant 16 : i32
    %shift_right_logical3A_29 = vector.broadcast %shift_right_logical3A_28 : i32 to vector<64x128xi32>
    %shift_right_logical3A_30 = arith.shrui %mul3A_15, %shift_right_logical3A_29 : vector<64x128xi32>
    %and3A_31 = arith.constant 65535 : i32
    %and3A_32 = vector.broadcast %and3A_31 : i32 to vector<64x128xi32>
    %and3A_33 = arith.andi %mul3A_17, %and3A_32 : vector<64x128xi32>
    %add3A_34 = arith.addi %shift_right_logical3A_30, %and3A_33 : vector<64x128xi32>
    %shift_right_logical3A_35 = arith.constant 16 : i32
    %shift_right_logical3A_36 = vector.broadcast %shift_right_logical3A_35 : i32 to vector<64x128xi32>
    %shift_right_logical3A_37 = arith.shrui %add3A, %shift_right_logical3A_36 : vector<64x128xi32>
    %add3A_38 = arith.addi %add3A_34, %shift_right_logical3A_37 : vector<64x128xi32>
    %and3A_39 = arith.constant 65535 : i32
    %and3A_40 = vector.broadcast %and3A_39 : i32 to vector<64x128xi32>
    %and3A_41 = arith.andi %add3A_38, %and3A_40 : vector<64x128xi32>
    %shift_right_logical3A_42 = arith.constant 16 : i32
    %shift_right_logical3A_43 = vector.broadcast %shift_right_logical3A_42 : i32 to vector<64x128xi32>
    %shift_right_logical3A_44 = arith.shrui %add3A_38, %shift_right_logical3A_43 : vector<64x128xi32>
    %shift_right_logical3A_45 = arith.constant 16 : i32
    %shift_right_logical3A_46 = vector.broadcast %shift_right_logical3A_45 : i32 to vector<64x128xi32>
    %shift_right_logical3A_47 = arith.shrui %mul3A_17, %shift_right_logical3A_46 : vector<64x128xi32>
    %add3A_48 = arith.addi %shift_right_logical3A_44, %shift_right_logical3A_47 : vector<64x128xi32>
    %get3A_49 = arith.constant 1 : index
    %get3A_50 = arith.constant 0 : index
    %get3A_51 = arith.constant 0 : index
    %get3A_52 = vector.load %arg0[%get3A_49, %get3A_50, %get3A_51] : memref<3x64x128xi32, #tpu.memory_space<vmem>>, vector<1x64x128xi32>
    %get3A_53 = vector.shape_cast %get3A_52 : vector<1x64x128xi32> to vector<64x128xi32>
    %get3A_54 = arith.constant 1 : index
    %get3A_55 = arith.constant 0 : index
    %get3A_56 = memref.load %arg1[%get3A_54, %get3A_55] : memref<3x3xi32, #tpu.memory_space<smem>>
    %get3A_57 = arith.constant 1 : index
    %get3A_58 = arith.constant 1 : index
    %get3A_59 = memref.load %arg1[%get3A_57, %get3A_58] : memref<3x3xi32, #tpu.memory_space<smem>>
    %get3A_60 = arith.constant 1 : index
    %get3A_61 = arith.constant 2 : index
    %get3A_62 = memref.load %arg1[%get3A_60, %get3A_61] : memref<3x3xi32, #tpu.memory_space<smem>>
    %mul3A_63 = vector.broadcast %get3A_56 : i32 to vector<64x128xi32>
    %mul3A_64 = arith.muli %get3A_53, %mul3A_63 : vector<64x128xi32>
    %mul3A_65 = vector.broadcast %get3A_59 : i32 to vector<64x128xi32>
    %mul3A_66 = arith.muli %get3A_53, %mul3A_65 : vector<64x128xi32>
    %mul3A_67 = vector.broadcast %get3A_62 : i32 to vector<64x128xi32>
    %mul3A_68 = arith.muli %get3A_53, %mul3A_67 : vector<64x128xi32>
    %and3A_69 = arith.constant 65535 : i32
    %and3A_70 = vector.broadcast %and3A_69 : i32 to vector<64x128xi32>
    %and3A_71 = arith.andi %mul3A_64, %and3A_70 : vector<64x128xi32>
    %shift_right_logical3A_72 = arith.constant 16 : i32
    %shift_right_logical3A_73 = vector.broadcast %shift_right_logical3A_72 : i32 to vector<64x128xi32>
    %shift_right_logical3A_74 = arith.shrui %mul3A_64, %shift_right_logical3A_73 : vector<64x128xi32>
    %and3A_75 = arith.constant 65535 : i32
    %and3A_76 = vector.broadcast %and3A_75 : i32 to vector<64x128xi32>
    %and3A_77 = arith.andi %mul3A_66, %and3A_76 : vector<64x128xi32>
    %add3A_78 = arith.addi %shift_right_logical3A_74, %and3A_77 : vector<64x128xi32>
    %and3A_79 = arith.constant 65535 : i32
    %and3A_80 = vector.broadcast %and3A_79 : i32 to vector<64x128xi32>
    %and3A_81 = arith.andi %add3A_78, %and3A_80 : vector<64x128xi32>
    %shift_right_logical3A_82 = arith.constant 16 : i32
    %shift_right_logical3A_83 = vector.broadcast %shift_right_logical3A_82 : i32 to vector<64x128xi32>
    %shift_right_logical3A_84 = arith.shrui %mul3A_66, %shift_right_logical3A_83 : vector<64x128xi32>
    %and3A_85 = arith.constant 65535 : i32
    %and3A_86 = vector.broadcast %and3A_85 : i32 to vector<64x128xi32>
    %and3A_87 = arith.andi %mul3A_68, %and3A_86 : vector<64x128xi32>
    %add3A_88 = arith.addi %shift_right_logical3A_84, %and3A_87 : vector<64x128xi32>
    %shift_right_logical3A_89 = arith.constant 16 : i32
    %shift_right_logical3A_90 = vector.broadcast %shift_right_logical3A_89 : i32 to vector<64x128xi32>
    %shift_right_logical3A_91 = arith.shrui %add3A_78, %shift_right_logical3A_90 : vector<64x128xi32>
    %add3A_92 = arith.addi %add3A_88, %shift_right_logical3A_91 : vector<64x128xi32>
    %and3A_93 = arith.constant 65535 : i32
    %and3A_94 = vector.broadcast %and3A_93 : i32 to vector<64x128xi32>
    %and3A_95 = arith.andi %add3A_92, %and3A_94 : vector<64x128xi32>
    %shift_right_logical3A_96 = arith.constant 16 : i32
    %shift_right_logical3A_97 = vector.broadcast %shift_right_logical3A_96 : i32 to vector<64x128xi32>
    %shift_right_logical3A_98 = arith.shrui %add3A_92, %shift_right_logical3A_97 : vector<64x128xi32>
    %shift_right_logical3A_99 = arith.constant 16 : i32
    %shift_right_logical3A_100 = vector.broadcast %shift_right_logical3A_99 : i32 to vector<64x128xi32>
    %shift_right_logical3A_101 = arith.shrui %mul3A_68, %shift_right_logical3A_100 : vector<64x128xi32>
    %add3A_102 = arith.addi %shift_right_logical3A_98, %shift_right_logical3A_101 : vector<64x128xi32>
    %get3A_103 = arith.constant 2 : index
    %get3A_104 = arith.constant 0 : index
    %get3A_105 = arith.constant 0 : index
    %get3A_106 = vector.load %arg0[%get3A_103, %get3A_104, %get3A_105] : memref<3x64x128xi32, #tpu.memory_space<vmem>>, vector<1x64x128xi32>
    %get3A_107 = vector.shape_cast %get3A_106 : vector<1x64x128xi32> to vector<64x128xi32>
    %get3A_108 = arith.constant 2 : index
    %get3A_109 = arith.constant 0 : index
    %get3A_110 = memref.load %arg1[%get3A_108, %get3A_109] : memref<3x3xi32, #tpu.memory_space<smem>>
    %get3A_111 = arith.constant 2 : index
    %get3A_112 = arith.constant 1 : index
    %get3A_113 = memref.load %arg1[%get3A_111, %get3A_112] : memref<3x3xi32, #tpu.memory_space<smem>>
    %get3A_114 = arith.constant 2 : index
    %get3A_115 = arith.constant 2 : index
    %get3A_116 = memref.load %arg1[%get3A_114, %get3A_115] : memref<3x3xi32, #tpu.memory_space<smem>>
    %mul3A_117 = vector.broadcast %get3A_110 : i32 to vector<64x128xi32>
    %mul3A_118 = arith.muli %get3A_107, %mul3A_117 : vector<64x128xi32>
    %mul3A_119 = vector.broadcast %get3A_113 : i32 to vector<64x128xi32>
    %mul3A_120 = arith.muli %get3A_107, %mul3A_119 : vector<64x128xi32>
    %mul3A_121 = vector.broadcast %get3A_116 : i32 to vector<64x128xi32>
    %mul3A_122 = arith.muli %get3A_107, %mul3A_121 : vector<64x128xi32>
    %and3A_123 = arith.constant 65535 : i32
    %and3A_124 = vector.broadcast %and3A_123 : i32 to vector<64x128xi32>
    %and3A_125 = arith.andi %mul3A_118, %and3A_124 : vector<64x128xi32>
    %shift_right_logical3A_126 = arith.constant 16 : i32
    %shift_right_logical3A_127 = vector.broadcast %shift_right_logical3A_126 : i32 to vector<64x128xi32>
    %shift_right_logical3A_128 = arith.shrui %mul3A_118, %shift_right_logical3A_127 : vector<64x128xi32>
    %and3A_129 = arith.constant 65535 : i32
    %and3A_130 = vector.broadcast %and3A_129 : i32 to vector<64x128xi32>
    %and3A_131 = arith.andi %mul3A_120, %and3A_130 : vector<64x128xi32>
    %add3A_132 = arith.addi %shift_right_logical3A_128, %and3A_131 : vector<64x128xi32>
    %and3A_133 = arith.constant 65535 : i32
    %and3A_134 = vector.broadcast %and3A_133 : i32 to vector<64x128xi32>
    %and3A_135 = arith.andi %add3A_132, %and3A_134 : vector<64x128xi32>
    %shift_right_logical3A_136 = arith.constant 16 : i32
    %shift_right_logical3A_137 = vector.broadcast %shift_right_logical3A_136 : i32 to vector<64x128xi32>
    %shift_right_logical3A_138 = arith.shrui %mul3A_120, %shift_right_logical3A_137 : vector<64x128xi32>
    %and3A_139 = arith.constant 65535 : i32
    %and3A_140 = vector.broadcast %and3A_139 : i32 to vector<64x128xi32>
    %and3A_141 = arith.andi %mul3A_122, %and3A_140 : vector<64x128xi32>
    %add3A_142 = arith.addi %shift_right_logical3A_138, %and3A_141 : vector<64x128xi32>
    %shift_right_logical3A_143 = arith.constant 16 : i32
    %shift_right_logical3A_144 = vector.broadcast %shift_right_logical3A_143 : i32 to vector<64x128xi32>
    %shift_right_logical3A_145 = arith.shrui %add3A_132, %shift_right_logical3A_144 : vector<64x128xi32>
    %add3A_146 = arith.addi %add3A_142, %shift_right_logical3A_145 : vector<64x128xi32>
    %and3A_147 = arith.constant 65535 : i32
    %and3A_148 = vector.broadcast %and3A_147 : i32 to vector<64x128xi32>
    %and3A_149 = arith.andi %add3A_146, %and3A_148 : vector<64x128xi32>
    %shift_right_logical3A_150 = arith.constant 16 : i32
    %shift_right_logical3A_151 = vector.broadcast %shift_right_logical3A_150 : i32 to vector<64x128xi32>
    %shift_right_logical3A_152 = arith.shrui %add3A_146, %shift_right_logical3A_151 : vector<64x128xi32>
    %shift_right_logical3A_153 = arith.constant 16 : i32
    %shift_right_logical3A_154 = vector.broadcast %shift_right_logical3A_153 : i32 to vector<64x128xi32>
    %shift_right_logical3A_155 = arith.shrui %mul3A_122, %shift_right_logical3A_154 : vector<64x128xi32>
    %add3A_156 = arith.addi %shift_right_logical3A_152, %shift_right_logical3A_155 : vector<64x128xi32>
    %xor3A = arith.xori %and3A_19, %and3A_71 : vector<64x128xi32>
    %xor3A_157 = arith.xori %and3A_27, %and3A_81 : vector<64x128xi32>
    %xor3A_158 = arith.xori %and3A_41, %and3A_95 : vector<64x128xi32>
    %xor3A_159 = arith.xori %add3A_48, %add3A_102 : vector<64x128xi32>
    %and3A_160 = arith.constant 255 : i32
    %and3A_161 = vector.broadcast %and3A_160 : i32 to vector<64x128xi32>
    %and3A_162 = arith.andi %xor3A, %and3A_161 : vector<64x128xi32>
    %shift_right_logical3A_163 = arith.constant 8 : i32
    %shift_right_logical3A_164 = vector.broadcast %shift_right_logical3A_163 : i32 to vector<64x128xi32>
    %shift_right_logical3A_165 = arith.shrui %xor3A, %shift_right_logical3A_164 : vector<64x128xi32>
    %get3A_166 = arith.constant 0 : index
    %get3A_167 = arith.constant 0 : index
    %get3A_168 = memref.load %arg2[%get3A_166, %get3A_167] : memref<8x8xi32, #tpu.memory_space<smem>>
    %mul3A_169 = vector.broadcast %get3A_168 : i32 to vector<64x128xi32>
    %mul3A_170 = arith.muli %and3A_162, %mul3A_169 : vector<64x128xi32>
    %get3A_171 = arith.constant 0 : index
    %get3A_172 = arith.constant 1 : index
    %get3A_173 = memref.load %arg2[%get3A_171, %get3A_172] : memref<8x8xi32, #tpu.memory_space<smem>>
    %mul3A_174 = vector.broadcast %get3A_173 : i32 to vector<64x128xi32>
    %mul3A_175 = arith.muli %shift_right_logical3A_165, %mul3A_174 : vector<64x128xi32>
    %add3A_176 = arith.addi %mul3A_170, %mul3A_175 : vector<64x128xi32>
    %and3A_177 = arith.constant 255 : i32
    %and3A_178 = vector.broadcast %and3A_177 : i32 to vector<64x128xi32>
    %and3A_179 = arith.andi %xor3A_157, %and3A_178 : vector<64x128xi32>
    %shift_right_logical3A_180 = arith.constant 8 : i32
    %shift_right_logical3A_181 = vector.broadcast %shift_right_logical3A_180 : i32 to vector<64x128xi32>
    %shift_right_logical3A_182 = arith.shrui %xor3A_157, %shift_right_logical3A_181 : vector<64x128xi32>
    %get3A_183 = arith.constant 0 : index
    %get3A_184 = arith.constant 2 : index
    %get3A_185 = memref.load %arg2[%get3A_183, %get3A_184] : memref<8x8xi32, #tpu.memory_space<smem>>
    %mul3A_186 = vector.broadcast %get3A_185 : i32 to vector<64x128xi32>
    %mul3A_187 = arith.muli %and3A_179, %mul3A_186 : vector<64x128xi32>
    %get3A_188 = arith.constant 0 : index
    %get3A_189 = arith.constant 3 : index
    %get3A_190 = memref.load %arg2[%get3A_188, %get3A_189] : memref<8x8xi32, #tpu.memory_space<smem>>
    %mul3A_191 = vector.broadcast %get3A_190 : i32 to vector<64x128xi32>
    %mul3A_192 = arith.muli %shift_right_logical3A_182, %mul3A_191 : vector<64x128xi32>
    %add3A_193 = arith.addi %mul3A_187, %mul3A_192 : vector<64x128xi32>
    %add3A_194 = arith.addi %add3A_176, %add3A_193 : vector<64x128xi32>
    %and3A_195 = arith.constant 255 : i32
    %and3A_196 = vector.broadcast %and3A_195 : i32 to vector<64x128xi32>
    %and3A_197 = arith.andi %xor3A_158, %and3A_196 : vector<64x128xi32>
    %shift_right_logical3A_198 = arith.constant 8 : i32
    %shift_right_logical3A_199 = vector.broadcast %shift_right_logical3A_198 : i32 to vector<64x128xi32>
    %shift_right_logical3A_200 = arith.shrui %xor3A_158, %shift_right_logical3A_199 : vector<64x128xi32>
    %get3A_201 = arith.constant 0 : index
    %get3A_202 = arith.constant 4 : index
    %get3A_203 = memref.load %arg2[%get3A_201, %get3A_202] : memref<8x8xi32, #tpu.memory_space<smem>>
    %mul3A_204 = vector.broadcast %get3A_203 : i32 to vector<64x128xi32>
    %mul3A_205 = arith.muli %and3A_197, %mul3A_204 : vector<64x128xi32>
    %get3A_206 = arith.constant 0 : index
    %get3A_207 = arith.constant 5 : index
    %get3A_208 = memref.load %arg2[%get3A_206, %get3A_207] : memref<8x8xi32, #tpu.memory_space<smem>>
    %mul3A_209 = vector.broadcast %get3A_208 : i32 to vector<64x128xi32>
    %mul3A_210 = arith.muli %shift_right_logical3A_200, %mul3A_209 : vector<64x128xi32>
    %add3A_211 = arith.addi %mul3A_205, %mul3A_210 : vector<64x128xi32>
    %add3A_212 = arith.addi %add3A_194, %add3A_211 : vector<64x128xi32>
    %and3A_213 = arith.constant 255 : i32
    %and3A_214 = vector.broadcast %and3A_213 : i32 to vector<64x128xi32>
    %and3A_215 = arith.andi %xor3A_159, %and3A_214 : vector<64x128xi32>
    %shift_right_logical3A_216 = arith.constant 8 : i32
    %shift_right_logical3A_217 = vector.broadcast %shift_right_logical3A_216 : i32 to vector<64x128xi32>
    %shift_right_logical3A_218 = arith.shrui %xor3A_159, %shift_right_logical3A_217 : vector<64x128xi32>
    %get3A_219 = arith.constant 0 : index
    %get3A_220 = arith.constant 6 : index
    %get3A_221 = memref.load %arg2[%get3A_219, %get3A_220] : memref<8x8xi32, #tpu.memory_space<smem>>
    %mul3A_222 = vector.broadcast %get3A_221 : i32 to vector<64x128xi32>
    %mul3A_223 = arith.muli %and3A_215, %mul3A_222 : vector<64x128xi32>
    %get3A_224 = arith.constant 0 : index
    %get3A_225 = arith.constant 7 : index
    %get3A_226 = memref.load %arg2[%get3A_224, %get3A_225] : memref<8x8xi32, #tpu.memory_space<smem>>
    %mul3A_227 = vector.broadcast %get3A_226 : i32 to vector<64x128xi32>
    %mul3A_228 = arith.muli %shift_right_logical3A_218, %mul3A_227 : vector<64x128xi32>
    %add3A_229 = arith.addi %mul3A_223, %mul3A_228 : vector<64x128xi32>
    %add3A_230 = arith.addi %add3A_212, %add3A_229 : vector<64x128xi32>
    %get3A_231 = arith.constant 0 : index
    %get3A_232 = memref.load %arg3[%get3A_231] : memref<8xi32, #tpu.memory_space<smem>>
    %eq3A = arith.constant 0 : i32
    %eq3A_233 = arith.cmpi eq, %get3A_232, %eq3A : i32
    %jit3A = arith.constant 1 : i32
    %select_n3A = arith.select %eq3A_233, %jit3A, %get3A_232 : i32
    %rem3A = vector.broadcast %select_n3A : i32 to vector<64x128xi32>
    %rem3A_234 = arith.remsi %add3A_230, %rem3A : vector<64x128xi32>
    %ne3A = arith.constant 0 : i32
    %ne3A_235 = vector.broadcast %ne3A : i32 to vector<64x128xi32>
    %ne3A_236 = arith.cmpi ne, %rem3A_234, %ne3A_235 : vector<64x128xi32>
    %lt3A = arith.constant 0 : i32
    %lt3A_237 = vector.broadcast %lt3A : i32 to vector<64x128xi32>
    %lt3A_238 = arith.cmpi slt, %rem3A_234, %lt3A_237 : vector<64x128xi32>
    %lt3A_239 = arith.constant 0 : i32
    %lt3A_240 = arith.cmpi slt, %select_n3A, %lt3A_239 : i32
    %ne3A_241 = vector.broadcast %lt3A_240 : i1 to vector<64x128xi1>
    %ne3A_242 = vector.broadcast %ne3A_241 : vector<64x128xi1> to vector<64x128xi1>
    %ne3A_243 = arith.xori %lt3A_238, %ne3A_242 : vector<64x128xi1>
    %and3A_244 = arith.andi %ne3A_243, %ne3A_236 : vector<64x128xi1>
    %add3A_245 = vector.broadcast %select_n3A : i32 to vector<64x128xi32>
    %add3A_246 = arith.addi %rem3A_234, %add3A_245 : vector<64x128xi32>
    %select_n3A_247 = arith.select %and3A_244, %add3A_246, %rem3A_234 : vector<64x128xi1>, vector<64x128xi32>
    %get3A_248 = arith.constant 0 : index
    %get3A_249 = memref.load %arg4[%get3A_248] : memref<8xi32, #tpu.memory_space<smem>>
    %add3A_250 = vector.broadcast %get3A_249 : i32 to vector<64x128xi32>
    %add3A_251 = arith.addi %select_n3A_247, %add3A_250 : vector<64x128xi32>
    %swap3A = arith.constant 0 : index
    %swap3A_252 = arith.constant 0 : index
    %swap3A_253 = arith.constant 0 : index
    %swap3A_254 = vector.load %arg5[%swap3A, %swap3A_252, %swap3A_253] : memref<8x64x128xi32, #tpu.memory_space<vmem>>, vector<1x64x128xi32>
    %swap3A_255 = vector.shape_cast %swap3A_254 : vector<1x64x128xi32> to vector<64x128xi32>
    %swap3A_256 = vector.shape_cast %add3A_251 : vector<64x128xi32> to vector<1x64x128xi32>
    tpu.vector_store %arg5[%swap3A, %swap3A_252, %swap3A_253], %swap3A_256 {strides = array<i32>} : memref<8x64x128xi32, #tpu.memory_space<vmem>>, vector<1x64x128xi32>,
    %and3A_257 = arith.constant 255 : i32
    %and3A_258 = vector.broadcast %and3A_257 : i32 to vector<64x128xi32>
    %and3A_259 = arith.andi %xor3A, %and3A_258 : vector<64x128xi32>
    %shift_right_logical3A_260 = arith.constant 8 : i32
    %shift_right_logical3A_261 = vector.broadcast %shift_right_logical3A_260 : i32 to vector<64x128xi32>
    %shift_right_logical3A_262 = arith.shrui %xor3A, %shift_right_logical3A_261 : vector<64x128xi32>
    %get3A_263 = arith.constant 1 : index
    %get3A_264 = arith.constant 0 : index
    %get3A_265 = memref.load %arg2[%get3A_263, %get3A_264] : memref<8x8xi32, #tpu.memory_space<smem>>
    %mul3A_266 = vector.broadcast %get3A_265 : i32 to vector<64x128xi32>
    %mul3A_267 = arith.muli %and3A_259, %mul3A_266 : vector<64x128xi32>
    %get3A_268 = arith.constant 1 : index
    %get3A_269 = arith.constant 1 : index
    %get3A_270 = memref.load %arg2[%get3A_268, %get3A_269] : memref<8x8xi32, #tpu.memory_space<smem>>
    %mul3A_271 = vector.broadcast %get3A_270 : i32 to vector<64x128xi32>
    %mul3A_272 = arith.muli %shift_right_logical3A_262, %mul3A_271 : vector<64x128xi32>
    %add3A_273 = arith.addi %mul3A_267, %mul3A_272 : vector<64x128xi32>
    %and3A_274 = arith.constant 255 : i32
    %and3A_275 = vector.broadcast %and3A_274 : i32 to vector<64x128xi32>
    %and3A_276 = arith.andi %xor3A_157, %and3A_275 : vector<64x128xi32>
    %shift_right_logical3A_277 = arith.constant 8 : i32
    %shift_right_logical3A_278 = vector.broadcast %shift_right_logical3A_277 : i32 to vector<64x128xi32>
    %shift_right_logical3A_279 = arith.shrui %xor3A_157, %shift_right_logical3A_278 : vector<64x128xi32>
    %get3A_280 = arith.constant 1 : index
    %get3A_281 = arith.constant 2 : index
    %get3A_282 = memref.load %arg2[%get3A_280, %get3A_281] : memref<8x8xi32, #tpu.memory_space<smem>>
    %mul3A_283 = vector.broadcast %get3A_282 : i32 to vector<64x128xi32>
    %mul3A_284 = arith.muli %and3A_276, %mul3A_283 : vector<64x128xi32>
    %get3A_285 = arith.constant 1 : index
    %get3A_286 = arith.constant 3 : index
    %get3A_287 = memref.load %arg2[%get3A_285, %get3A_286] : memref<8x8xi32, #tpu.memory_space<smem>>
    %mul3A_288 = vector.broadcast %get3A_287 : i32 to vector<64x128xi32>
    %mul3A_289 = arith.muli %shift_right_logical3A_279, %mul3A_288 : vector<64x128xi32>
    %add3A_290 = arith.addi %mul3A_284, %mul3A_289 : vector<64x128xi32>
    %add3A_291 = arith.addi %add3A_273, %add3A_290 : vector<64x128xi32>
    %and3A_292 = arith.constant 255 : i32
    %and3A_293 = vector.broadcast %and3A_292 : i32 to vector<64x128xi32>
    %and3A_294 = arith.andi %xor3A_158, %and3A_293 : vector<64x128xi32>
    %shift_right_logical3A_295 = arith.constant 8 : i32
    %shift_right_logical3A_296 = vector.broadcast %shift_right_logical3A_295 : i32 to vector<64x128xi32>
    %shift_right_logical3A_297 = arith.shrui %xor3A_158, %shift_right_logical3A_296 : vector<64x128xi32>
    %get3A_298 = arith.constant 1 : index
    %get3A_299 = arith.constant 4 : index
    %get3A_300 = memref.load %arg2[%get3A_298, %get3A_299] : memref<8x8xi32, #tpu.memory_space<smem>>
    %mul3A_301 = vector.broadcast %get3A_300 : i32 to vector<64x128xi32>
    %mul3A_302 = arith.muli %and3A_294, %mul3A_301 : vector<64x128xi32>
    %get3A_303 = arith.constant 1 : index
    %get3A_304 = arith.constant 5 : index
    %get3A_305 = memref.load %arg2[%get3A_303, %get3A_304] : memref<8x8xi32, #tpu.memory_space<smem>>
    %mul3A_306 = vector.broadcast %get3A_305 : i32 to vector<64x128xi32>
    %mul3A_307 = arith.muli %shift_right_logical3A_297, %mul3A_306 : vector<64x128xi32>
    %add3A_308 = arith.addi %mul3A_302, %mul3A_307 : vector<64x128xi32>
    %add3A_309 = arith.addi %add3A_291, %add3A_308 : vector<64x128xi32>
    %and3A_310 = arith.constant 255 : i32
    %and3A_311 = vector.broadcast %and3A_310 : i32 to vector<64x128xi32>
    %and3A_312 = arith.andi %xor3A_159, %and3A_311 : vector<64x128xi32>
    %shift_right_logical3A_313 = arith.constant 8 : i32
    %shift_right_logical3A_314 = vector.broadcast %shift_right_logical3A_313 : i32 to vector<64x128xi32>
    %shift_right_logical3A_315 = arith.shrui %xor3A_159, %shift_right_logical3A_314 : vector<64x128xi32>
    %get3A_316 = arith.constant 1 : index
    %get3A_317 = arith.constant 6 : index
    %get3A_318 = memref.load %arg2[%get3A_316, %get3A_317] : memref<8x8xi32, #tpu.memory_space<smem>>
    %mul3A_319 = vector.broadcast %get3A_318 : i32 to vector<64x128xi32>
    %mul3A_320 = arith.muli %and3A_312, %mul3A_319 : vector<64x128xi32>
    %get3A_321 = arith.constant 1 : index
    %get3A_322 = arith.constant 7 : index
    %get3A_323 = memref.load %arg2[%get3A_321, %get3A_322] : memref<8x8xi32, #tpu.memory_space<smem>>
    %mul3A_324 = vector.broadcast %get3A_323 : i32 to vector<64x128xi32>
    %mul3A_325 = arith.muli %shift_right_logical3A_315, %mul3A_324 : vector<64x128xi32>
    %add3A_326 = arith.addi %mul3A_320, %mul3A_325 : vector<64x128xi32>
    %add3A_327 = arith.addi %add3A_309, %add3A_326 : vector<64x128xi32>
    %get3A_328 = arith.constant 1 : index
    %get3A_329 = memref.load %arg3[%get3A_328] : memref<8xi32, #tpu.memory_space<smem>>
    %eq3A_330 = arith.constant 0 : i32
    %eq3A_331 = arith.cmpi eq, %get3A_329, %eq3A_330 : i32
    %jit3A_332 = arith.constant 1 : i32
    %select_n3A_333 = arith.select %eq3A_331, %jit3A_332, %get3A_329 : i32
    %rem3A_334 = vector.broadcast %select_n3A_333 : i32 to vector<64x128xi32>
    %rem3A_335 = arith.remsi %add3A_327, %rem3A_334 : vector<64x128xi32>
    %ne3A_336 = arith.constant 0 : i32
    %ne3A_337 = vector.broadcast %ne3A_336 : i32 to vector<64x128xi32>
    %ne3A_338 = arith.cmpi ne, %rem3A_335, %ne3A_337 : vector<64x128xi32>
    %lt3A_339 = arith.constant 0 : i32
    %lt3A_340 = vector.broadcast %lt3A_339 : i32 to vector<64x128xi32>
    %lt3A_341 = arith.cmpi slt, %rem3A_335, %lt3A_340 : vector<64x128xi32>
    %lt3A_342 = arith.constant 0 : i32
    %lt3A_343 = arith.cmpi slt, %select_n3A_333, %lt3A_342 : i32
    %ne3A_344 = vector.broadcast %lt3A_343 : i1 to vector<64x128xi1>
    %ne3A_345 = vector.broadcast %ne3A_344 : vector<64x128xi1> to vector<64x128xi1>
    %ne3A_346 = arith.xori %lt3A_341, %ne3A_345 : vector<64x128xi1>
    %and3A_347 = arith.andi %ne3A_346, %ne3A_338 : vector<64x128xi1>
    %add3A_348 = vector.broadcast %select_n3A_333 : i32 to vector<64x128xi32>
    %add3A_349 = arith.addi %rem3A_335, %add3A_348 : vector<64x128xi32>
    %select_n3A_350 = arith.select %and3A_347, %add3A_349, %rem3A_335 : vector<64x128xi1>, vector<64x128xi32>
    %get3A_351 = arith.constant 1 : index
    %get3A_352 = memref.load %arg4[%get3A_351] : memref<8xi32, #tpu.memory_space<smem>>
    %add3A_353 = vector.broadcast %get3A_352 : i32 to vector<64x128xi32>
    %add3A_354 = arith.addi %select_n3A_350, %add3A_353 : vector<64x128xi32>
    %swap3A_355 = arith.constant 1 : index
    %swap3A_356 = arith.constant 0 : index
    %swap3A_357 = arith.constant 0 : index
    %swap3A_358 = vector.load %arg5[%swap3A_355, %swap3A_356, %swap3A_357] : memref<8x64x128xi32, #tpu.memory_space<vmem>>, vector<1x64x128xi32>
    %swap3A_359 = vector.shape_cast %swap3A_358 : vector<1x64x128xi32> to vector<64x128xi32>
    %swap3A_360 = vector.shape_cast %add3A_354 : vector<64x128xi32> to vector<1x64x128xi32>
    tpu.vector_store %arg5[%swap3A_355, %swap3A_356, %swap3A_357], %swap3A_360 {strides = array<i32>} : memref<8x64x128xi32, #tpu.memory_space<vmem>>, vector<1x64x128xi32>,
    %and3A_361 = arith.constant 255 : i32
    %and3A_362 = vector.broadcast %and3A_361 : i32 to vector<64x128xi32>
    %and3A_363 = arith.andi %xor3A, %and3A_362 : vector<64x128xi32>
    %shift_right_logical3A_364 = arith.constant 8 : i32
    %shift_right_logical3A_365 = vector.broadcast %shift_right_logical3A_364 : i32 to vector<64x128xi32>
    %shift_right_logical3A_366 = arith.shrui %xor3A, %shift_right_logical3A_365 : vector<64x128xi32>
    %get3A_367 = arith.constant 2 : index
    %get3A_368 = arith.constant 0 : index
    %get3A_369 = memref.load %arg2[%get3A_367, %get3A_368] : memref<8x8xi32, #tpu.memory_space<smem>>
    %mul3A_370 = vector.broadcast %get3A_369 : i32 to vector<64x128xi32>
    %mul3A_371 = arith.muli %and3A_363, %mul3A_370 : vector<64x128xi32>
    %get3A_372 = arith.constant 2 : index
    %get3A_373 = arith.constant 1 : index
    %get3A_374 = memref.load %arg2[%get3A_372, %get3A_373] : memref<8x8xi32, #tpu.memory_space<smem>>
    %mul3A_375 = vector.broadcast %get3A_374 : i32 to vector<64x128xi32>
    %mul3A_376 = arith.muli %shift_right_logical3A_366, %mul3A_375 : vector<64x128xi32>
    %add3A_377 = arith.addi %mul3A_371, %mul3A_376 : vector<64x128xi32>
    %and3A_378 = arith.constant 255 : i32
    %and3A_379 = vector.broadcast %and3A_378 : i32 to vector<64x128xi32>
    %and3A_380 = arith.andi %xor3A_157, %and3A_379 : vector<64x128xi32>
    %shift_right_logical3A_381 = arith.constant 8 : i32
    %shift_right_logical3A_382 = vector.broadcast %shift_right_logical3A_381 : i32 to vector<64x128xi32>
    %shift_right_logical3A_383 = arith.shrui %xor3A_157, %shift_right_logical3A_382 : vector<64x128xi32>
    %get3A_384 = arith.constant 2 : index
    %get3A_385 = arith.constant 2 : index
    %get3A_386 = memref.load %arg2[%get3A_384, %get3A_385] : memref<8x8xi32, #tpu.memory_space<smem>>
    %mul3A_387 = vector.broadcast %get3A_386 : i32 to vector<64x128xi32>
    %mul3A_388 = arith.muli %and3A_380, %mul3A_387 : vector<64x128xi32>
    %get3A_389 = arith.constant 2 : index
    %get3A_390 = arith.constant 3 : index
    %get3A_391 = memref.load %arg2[%get3A_389, %get3A_390] : memref<8x8xi32, #tpu.memory_space<smem>>
    %mul3A_392 = vector.broadcast %get3A_391 : i32 to vector<64x128xi32>
    %mul3A_393 = arith.muli %shift_right_logical3A_383, %mul3A_392 : vector<64x128xi32>
    %add3A_394 = arith.addi %mul3A_388, %mul3A_393 : vector<64x128xi32>
    %add3A_395 = arith.addi %add3A_377, %add3A_394 : vector<64x128xi32>
    %and3A_396 = arith.constant 255 : i32
    %and3A_397 = vector.broadcast %and3A_396 : i32 to vector<64x128xi32>
    %and3A_398 = arith.andi %xor3A_158, %and3A_397 : vector<64x128xi32>
    %shift_right_logical3A_399 = arith.constant 8 : i32
    %shift_right_logical3A_400 = vector.broadcast %shift_right_logical3A_399 : i32 to vector<64x128xi32>
    %shift_right_logical3A_401 = arith.shrui %xor3A_158, %shift_right_logical3A_400 : vector<64x128xi32>
    %get3A_402 = arith.constant 2 : index
    %get3A_403 = arith.constant 4 : index
    %get3A_404 = memref.load %arg2[%get3A_402, %get3A_403] : memref<8x8xi32, #tpu.memory_space<smem>>
    %mul3A_405 = vector.broadcast %get3A_404 : i32 to vector<64x128xi32>
    %mul3A_406 = arith.muli %and3A_398, %mul3A_405 : vector<64x128xi32>
    %get3A_407 = arith.constant 2 : index
    %get3A_408 = arith.constant 5 : index
    %get3A_409 = memref.load %arg2[%get3A_407, %get3A_408] : memref<8x8xi32, #tpu.memory_space<smem>>
    %mul3A_410 = vector.broadcast %get3A_409 : i32 to vector<64x128xi32>
    %mul3A_411 = arith.muli %shift_right_logical3A_401, %mul3A_410 : vector<64x128xi32>
    %add3A_412 = arith.addi %mul3A_406, %mul3A_411 : vector<64x128xi32>
    %add3A_413 = arith.addi %add3A_395, %add3A_412 : vector<64x128xi32>
    %and3A_414 = arith.constant 255 : i32
    %and3A_415 = vector.broadcast %and3A_414 : i32 to vector<64x128xi32>
    %and3A_416 = arith.andi %xor3A_159, %and3A_415 : vector<64x128xi32>
    %shift_right_logical3A_417 = arith.constant 8 : i32
    %shift_right_logical3A_418 = vector.broadcast %shift_right_logical3A_417 : i32 to vector<64x128xi32>
    %shift_right_logical3A_419 = arith.shrui %xor3A_159, %shift_right_logical3A_418 : vector<64x128xi32>
    %get3A_420 = arith.constant 2 : index
    %get3A_421 = arith.constant 6 : index
    %get3A_422 = memref.load %arg2[%get3A_420, %get3A_421] : memref<8x8xi32, #tpu.memory_space<smem>>
    %mul3A_423 = vector.broadcast %get3A_422 : i32 to vector<64x128xi32>
    %mul3A_424 = arith.muli %and3A_416, %mul3A_423 : vector<64x128xi32>
    %get3A_425 = arith.constant 2 : index
    %get3A_426 = arith.constant 7 : index
    %get3A_427 = memref.load %arg2[%get3A_425, %get3A_426] : memref<8x8xi32, #tpu.memory_space<smem>>
    %mul3A_428 = vector.broadcast %get3A_427 : i32 to vector<64x128xi32>
    %mul3A_429 = arith.muli %shift_right_logical3A_419, %mul3A_428 : vector<64x128xi32>
    %add3A_430 = arith.addi %mul3A_424, %mul3A_429 : vector<64x128xi32>
    %add3A_431 = arith.addi %add3A_413, %add3A_430 : vector<64x128xi32>
    %get3A_432 = arith.constant 2 : index
    %get3A_433 = memref.load %arg3[%get3A_432] : memref<8xi32, #tpu.memory_space<smem>>
    %eq3A_434 = arith.constant 0 : i32
    %eq3A_435 = arith.cmpi eq, %get3A_433, %eq3A_434 : i32
    %jit3A_436 = arith.constant 1 : i32
    %select_n3A_437 = arith.select %eq3A_435, %jit3A_436, %get3A_433 : i32
    %rem3A_438 = vector.broadcast %select_n3A_437 : i32 to vector<64x128xi32>
    %rem3A_439 = arith.remsi %add3A_431, %rem3A_438 : vector<64x128xi32>
    %ne3A_440 = arith.constant 0 : i32
    %ne3A_441 = vector.broadcast %ne3A_440 : i32 to vector<64x128xi32>
    %ne3A_442 = arith.cmpi ne, %rem3A_439, %ne3A_441 : vector<64x128xi32>
    %lt3A_443 = arith.constant 0 : i32
    %lt3A_444 = vector.broadcast %lt3A_443 : i32 to vector<64x128xi32>
    %lt3A_445 = arith.cmpi slt, %rem3A_439, %lt3A_444 : vector<64x128xi32>
    %lt3A_446 = arith.constant 0 : i32
    %lt3A_447 = arith.cmpi slt, %select_n3A_437, %lt3A_446 : i32
    %ne3A_448 = vector.broadcast %lt3A_447 : i1 to vector<64x128xi1>
    %ne3A_449 = vector.broadcast %ne3A_448 : vector<64x128xi1> to vector<64x128xi1>
    %ne3A_450 = arith.xori %lt3A_445, %ne3A_449 : vector<64x128xi1>
    %and3A_451 = arith.andi %ne3A_450, %ne3A_442 : vector<64x128xi1>
    %add3A_452 = vector.broadcast %select_n3A_437 : i32 to vector<64x128xi32>
    %add3A_453 = arith.addi %rem3A_439, %add3A_452 : vector<64x128xi32>
    %select_n3A_454 = arith.select %and3A_451, %add3A_453, %rem3A_439 : vector<64x128xi1>, vector<64x128xi32>
    %get3A_455 = arith.constant 2 : index
    %get3A_456 = memref.load %arg4[%get3A_455] : memref<8xi32, #tpu.memory_space<smem>>
    %add3A_457 = vector.broadcast %get3A_456 : i32 to vector<64x128xi32>
    %add3A_458 = arith.addi %select_n3A_454, %add3A_457 : vector<64x128xi32>
    %swap3A_459 = arith.constant 2 : index
    %swap3A_460 = arith.constant 0 : index
    %swap3A_461 = arith.constant 0 : index
    %swap3A_462 = vector.load %arg5[%swap3A_459, %swap3A_460, %swap3A_461] : memref<8x64x128xi32, #tpu.memory_space<vmem>>, vector<1x64x128xi32>
    %swap3A_463 = vector.shape_cast %swap3A_462 : vector<1x64x128xi32> to vector<64x128xi32>
    %swap3A_464 = vector.shape_cast %add3A_458 : vector<64x128xi32> to vector<1x64x128xi32>
    tpu.vector_store %arg5[%swap3A_459, %swap3A_460, %swap3A_461], %swap3A_464 {strides = array<i32>} : memref<8x64x128xi32, #tpu.memory_space<vmem>>, vector<1x64x128xi32>,
    %and3A_465 = arith.constant 255 : i32
    %and3A_466 = vector.broadcast %and3A_465 : i32 to vector<64x128xi32>
    %and3A_467 = arith.andi %xor3A, %and3A_466 : vector<64x128xi32>
    %shift_right_logical3A_468 = arith.constant 8 : i32
    %shift_right_logical3A_469 = vector.broadcast %shift_right_logical3A_468 : i32 to vector<64x128xi32>
    %shift_right_logical3A_470 = arith.shrui %xor3A, %shift_right_logical3A_469 : vector<64x128xi32>
    %get3A_471 = arith.constant 3 : index
    %get3A_472 = arith.constant 0 : index
    %get3A_473 = memref.load %arg2[%get3A_471, %get3A_472] : memref<8x8xi32, #tpu.memory_space<smem>>
    %mul3A_474 = vector.broadcast %get3A_473 : i32 to vector<64x128xi32>
    %mul3A_475 = arith.muli %and3A_467, %mul3A_474 : vector<64x128xi32>
    %get3A_476 = arith.constant 3 : index
    %get3A_477 = arith.constant 1 : index
    %get3A_478 = memref.load %arg2[%get3A_476, %get3A_477] : memref<8x8xi32, #tpu.memory_space<smem>>
    %mul3A_479 = vector.broadcast %get3A_478 : i32 to vector<64x128xi32>
    %mul3A_480 = arith.muli %shift_right_logical3A_470, %mul3A_479 : vector<64x128xi32>
    %add3A_481 = arith.addi %mul3A_475, %mul3A_480 : vector<64x128xi32>
    %and3A_482 = arith.constant 255 : i32
    %and3A_483 = vector.broadcast %and3A_482 : i32 to vector<64x128xi32>
    %and3A_484 = arith.andi %xor3A_157, %and3A_483 : vector<64x128xi32>
    %shift_right_logical3A_485 = arith.constant 8 : i32
    %shift_right_logical3A_486 = vector.broadcast %shift_right_logical3A_485 : i32 to vector<64x128xi32>
    %shift_right_logical3A_487 = arith.shrui %xor3A_157, %shift_right_logical3A_486 : vector<64x128xi32>
    %get3A_488 = arith.constant 3 : index
    %get3A_489 = arith.constant 2 : index
    %get3A_490 = memref.load %arg2[%get3A_488, %get3A_489] : memref<8x8xi32, #tpu.memory_space<smem>>
    %mul3A_491 = vector.broadcast %get3A_490 : i32 to vector<64x128xi32>
    %mul3A_492 = arith.muli %and3A_484, %mul3A_491 : vector<64x128xi32>
    %get3A_493 = arith.constant 3 : index
    %get3A_494 = arith.constant 3 : index
    %get3A_495 = memref.load %arg2[%get3A_493, %get3A_494] : memref<8x8xi32, #tpu.memory_space<smem>>
    %mul3A_496 = vector.broadcast %get3A_495 : i32 to vector<64x128xi32>
    %mul3A_497 = arith.muli %shift_right_logical3A_487, %mul3A_496 : vector<64x128xi32>
    %add3A_498 = arith.addi %mul3A_492, %mul3A_497 : vector<64x128xi32>
    %add3A_499 = arith.addi %add3A_481, %add3A_498 : vector<64x128xi32>
    %and3A_500 = arith.constant 255 : i32
    %and3A_501 = vector.broadcast %and3A_500 : i32 to vector<64x128xi32>
    %and3A_502 = arith.andi %xor3A_158, %and3A_501 : vector<64x128xi32>
    %shift_right_logical3A_503 = arith.constant 8 : i32
    %shift_right_logical3A_504 = vector.broadcast %shift_right_logical3A_503 : i32 to vector<64x128xi32>
    %shift_right_logical3A_505 = arith.shrui %xor3A_158, %shift_right_logical3A_504 : vector<64x128xi32>
    %get3A_506 = arith.constant 3 : index
    %get3A_507 = arith.constant 4 : index
    %get3A_508 = memref.load %arg2[%get3A_506, %get3A_507] : memref<8x8xi32, #tpu.memory_space<smem>>
    %mul3A_509 = vector.broadcast %get3A_508 : i32 to vector<64x128xi32>
    %mul3A_510 = arith.muli %and3A_502, %mul3A_509 : vector<64x128xi32>
    %get3A_511 = arith.constant 3 : index
    %get3A_512 = arith.constant 5 : index
    %get3A_513 = memref.load %arg2[%get3A_511, %get3A_512] : memref<8x8xi32, #tpu.memory_space<smem>>
    %mul3A_514 = vector.broadcast %get3A_513 : i32 to vector<64x128xi32>
    %mul3A_515 = arith.muli %shift_right_logical3A_505, %mul3A_514 : vector<64x128xi32>
    %add3A_516 = arith.addi %mul3A_510, %mul3A_515 : vector<64x128xi32>
    %add3A_517 = arith.addi %add3A_499, %add3A_516 : vector<64x128xi32>
    %and3A_518 = arith.constant 255 : i32
    %and3A_519 = vector.broadcast %and3A_518 : i32 to vector<64x128xi32>
    %and3A_520 = arith.andi %xor3A_159, %and3A_519 : vector<64x128xi32>
    %shift_right_logical3A_521 = arith.constant 8 : i32
    %shift_right_logical3A_522 = vector.broadcast %shift_right_logical3A_521 : i32 to vector<64x128xi32>
    %shift_right_logical3A_523 = arith.shrui %xor3A_159, %shift_right_logical3A_522 : vector<64x128xi32>
    %get3A_524 = arith.constant 3 : index
    %get3A_525 = arith.constant 6 : index
    %get3A_526 = memref.load %arg2[%get3A_524, %get3A_525] : memref<8x8xi32, #tpu.memory_space<smem>>
    %mul3A_527 = vector.broadcast %get3A_526 : i32 to vector<64x128xi32>
    %mul3A_528 = arith.muli %and3A_520, %mul3A_527 : vector<64x128xi32>
    %get3A_529 = arith.constant 3 : index
    %get3A_530 = arith.constant 7 : index
    %get3A_531 = memref.load %arg2[%get3A_529, %get3A_530] : memref<8x8xi32, #tpu.memory_space<smem>>
    %mul3A_532 = vector.broadcast %get3A_531 : i32 to vector<64x128xi32>
    %mul3A_533 = arith.muli %shift_right_logical3A_523, %mul3A_532 : vector<64x128xi32>
    %add3A_534 = arith.addi %mul3A_528, %mul3A_533 : vector<64x128xi32>
    %add3A_535 = arith.addi %add3A_517, %add3A_534 : vector<64x128xi32>
    %get3A_536 = arith.constant 3 : index
    %get3A_537 = memref.load %arg3[%get3A_536] : memref<8xi32, #tpu.memory_space<smem>>
    %eq3A_538 = arith.constant 0 : i32
    %eq3A_539 = arith.cmpi eq, %get3A_537, %eq3A_538 : i32
    %jit3A_540 = arith.constant 1 : i32
    %select_n3A_541 = arith.select %eq3A_539, %jit3A_540, %get3A_537 : i32
    %rem3A_542 = vector.broadcast %select_n3A_541 : i32 to vector<64x128xi32>
    %rem3A_543 = arith.remsi %add3A_535, %rem3A_542 : vector<64x128xi32>
    %ne3A_544 = arith.constant 0 : i32
    %ne3A_545 = vector.broadcast %ne3A_544 : i32 to vector<64x128xi32>
    %ne3A_546 = arith.cmpi ne, %rem3A_543, %ne3A_545 : vector<64x128xi32>
    %lt3A_547 = arith.constant 0 : i32
    %lt3A_548 = vector.broadcast %lt3A_547 : i32 to vector<64x128xi32>
    %lt3A_549 = arith.cmpi slt, %rem3A_543, %lt3A_548 : vector<64x128xi32>
    %lt3A_550 = arith.constant 0 : i32
    %lt3A_551 = arith.cmpi slt, %select_n3A_541, %lt3A_550 : i32
    %ne3A_552 = vector.broadcast %lt3A_551 : i1 to vector<64x128xi1>
    %ne3A_553 = vector.broadcast %ne3A_552 : vector<64x128xi1> to vector<64x128xi1>
    %ne3A_554 = arith.xori %lt3A_549, %ne3A_553 : vector<64x128xi1>
    %and3A_555 = arith.andi %ne3A_554, %ne3A_546 : vector<64x128xi1>
    %add3A_556 = vector.broadcast %select_n3A_541 : i32 to vector<64x128xi32>
    %add3A_557 = arith.addi %rem3A_543, %add3A_556 : vector<64x128xi32>
    %select_n3A_558 = arith.select %and3A_555, %add3A_557, %rem3A_543 : vector<64x128xi1>, vector<64x128xi32>
    %get3A_559 = arith.constant 3 : index
    %get3A_560 = memref.load %arg4[%get3A_559] : memref<8xi32, #tpu.memory_space<smem>>
    %add3A_561 = vector.broadcast %get3A_560 : i32 to vector<64x128xi32>
    %add3A_562 = arith.addi %select_n3A_558, %add3A_561 : vector<64x128xi32>
    %swap3A_563 = arith.constant 3 : index
    %swap3A_564 = arith.constant 0 : index
    %swap3A_565 = arith.constant 0 : index
    %swap3A_566 = vector.load %arg5[%swap3A_563, %swap3A_564, %swap3A_565] : memref<8x64x128xi32, #tpu.memory_space<vmem>>, vector<1x64x128xi32>
    %swap3A_567 = vector.shape_cast %swap3A_566 : vector<1x64x128xi32> to vector<64x128xi32>
    %swap3A_568 = vector.shape_cast %add3A_562 : vector<64x128xi32> to vector<1x64x128xi32>
    tpu.vector_store %arg5[%swap3A_563, %swap3A_564, %swap3A_565], %swap3A_568 {strides = array<i32>} : memref<8x64x128xi32, #tpu.memory_space<vmem>>, vector<1x64x128xi32>,
    %xor3A_569 = arith.xori %xor3A, %and3A_125 : vector<64x128xi32>
    %xor3A_570 = arith.xori %xor3A_157, %and3A_135 : vector<64x128xi32>
    %xor3A_571 = arith.xori %xor3A_158, %and3A_149 : vector<64x128xi32>
    %xor3A_572 = arith.xori %xor3A_159, %add3A_156 : vector<64x128xi32>
    %and3A_573 = arith.constant 255 : i32
    %and3A_574 = vector.broadcast %and3A_573 : i32 to vector<64x128xi32>
    %and3A_575 = arith.andi %xor3A_569, %and3A_574 : vector<64x128xi32>
    %shift_right_logical3A_576 = arith.constant 8 : i32
    %shift_right_logical3A_577 = vector.broadcast %shift_right_logical3A_576 : i32 to vector<64x128xi32>
    %shift_right_logical3A_578 = arith.shrui %xor3A_569, %shift_right_logical3A_577 : vector<64x128xi32>
    %get3A_579 = arith.constant 4 : index
    %get3A_580 = arith.constant 0 : index
    %get3A_581 = memref.load %arg2[%get3A_579, %get3A_580] : memref<8x8xi32, #tpu.memory_space<smem>>
    %mul3A_582 = vector.broadcast %get3A_581 : i32 to vector<64x128xi32>
    %mul3A_583 = arith.muli %and3A_575, %mul3A_582 : vector<64x128xi32>
    %get3A_584 = arith.constant 4 : index
    %get3A_585 = arith.constant 1 : index
    %get3A_586 = memref.load %arg2[%get3A_584, %get3A_585] : memref<8x8xi32, #tpu.memory_space<smem>>
    %mul3A_587 = vector.broadcast %get3A_586 : i32 to vector<64x128xi32>
    %mul3A_588 = arith.muli %shift_right_logical3A_578, %mul3A_587 : vector<64x128xi32>
    %add3A_589 = arith.addi %mul3A_583, %mul3A_588 : vector<64x128xi32>
    %and3A_590 = arith.constant 255 : i32
    %and3A_591 = vector.broadcast %and3A_590 : i32 to vector<64x128xi32>
    %and3A_592 = arith.andi %xor3A_570, %and3A_591 : vector<64x128xi32>
    %shift_right_logical3A_593 = arith.constant 8 : i32
    %shift_right_logical3A_594 = vector.broadcast %shift_right_logical3A_593 : i32 to vector<64x128xi32>
    %shift_right_logical3A_595 = arith.shrui %xor3A_570, %shift_right_logical3A_594 : vector<64x128xi32>
    %get3A_596 = arith.constant 4 : index
    %get3A_597 = arith.constant 2 : index
    %get3A_598 = memref.load %arg2[%get3A_596, %get3A_597] : memref<8x8xi32, #tpu.memory_space<smem>>
    %mul3A_599 = vector.broadcast %get3A_598 : i32 to vector<64x128xi32>
    %mul3A_600 = arith.muli %and3A_592, %mul3A_599 : vector<64x128xi32>
    %get3A_601 = arith.constant 4 : index
    %get3A_602 = arith.constant 3 : index
    %get3A_603 = memref.load %arg2[%get3A_601, %get3A_602] : memref<8x8xi32, #tpu.memory_space<smem>>
    %mul3A_604 = vector.broadcast %get3A_603 : i32 to vector<64x128xi32>
    %mul3A_605 = arith.muli %shift_right_logical3A_595, %mul3A_604 : vector<64x128xi32>
    %add3A_606 = arith.addi %mul3A_600, %mul3A_605 : vector<64x128xi32>
    %add3A_607 = arith.addi %add3A_589, %add3A_606 : vector<64x128xi32>
    %and3A_608 = arith.constant 255 : i32
    %and3A_609 = vector.broadcast %and3A_608 : i32 to vector<64x128xi32>
    %and3A_610 = arith.andi %xor3A_571, %and3A_609 : vector<64x128xi32>
    %shift_right_logical3A_611 = arith.constant 8 : i32
    %shift_right_logical3A_612 = vector.broadcast %shift_right_logical3A_611 : i32 to vector<64x128xi32>
    %shift_right_logical3A_613 = arith.shrui %xor3A_571, %shift_right_logical3A_612 : vector<64x128xi32>
    %get3A_614 = arith.constant 4 : index
    %get3A_615 = arith.constant 4 : index
    %get3A_616 = memref.load %arg2[%get3A_614, %get3A_615] : memref<8x8xi32, #tpu.memory_space<smem>>
    %mul3A_617 = vector.broadcast %get3A_616 : i32 to vector<64x128xi32>
    %mul3A_618 = arith.muli %and3A_610, %mul3A_617 : vector<64x128xi32>
    %get3A_619 = arith.constant 4 : index
    %get3A_620 = arith.constant 5 : index
    %get3A_621 = memref.load %arg2[%get3A_619, %get3A_620] : memref<8x8xi32, #tpu.memory_space<smem>>
    %mul3A_622 = vector.broadcast %get3A_621 : i32 to vector<64x128xi32>
    %mul3A_623 = arith.muli %shift_right_logical3A_613, %mul3A_622 : vector<64x128xi32>
    %add3A_624 = arith.addi %mul3A_618, %mul3A_623 : vector<64x128xi32>
    %add3A_625 = arith.addi %add3A_607, %add3A_624 : vector<64x128xi32>
    %and3A_626 = arith.constant 255 : i32
    %and3A_627 = vector.broadcast %and3A_626 : i32 to vector<64x128xi32>
    %and3A_628 = arith.andi %xor3A_572, %and3A_627 : vector<64x128xi32>
    %shift_right_logical3A_629 = arith.constant 8 : i32
    %shift_right_logical3A_630 = vector.broadcast %shift_right_logical3A_629 : i32 to vector<64x128xi32>
    %shift_right_logical3A_631 = arith.shrui %xor3A_572, %shift_right_logical3A_630 : vector<64x128xi32>
    %get3A_632 = arith.constant 4 : index
    %get3A_633 = arith.constant 6 : index
    %get3A_634 = memref.load %arg2[%get3A_632, %get3A_633] : memref<8x8xi32, #tpu.memory_space<smem>>
    %mul3A_635 = vector.broadcast %get3A_634 : i32 to vector<64x128xi32>
    %mul3A_636 = arith.muli %and3A_628, %mul3A_635 : vector<64x128xi32>
    %get3A_637 = arith.constant 4 : index
    %get3A_638 = arith.constant 7 : index
    %get3A_639 = memref.load %arg2[%get3A_637, %get3A_638] : memref<8x8xi32, #tpu.memory_space<smem>>
    %mul3A_640 = vector.broadcast %get3A_639 : i32 to vector<64x128xi32>
    %mul3A_641 = arith.muli %shift_right_logical3A_631, %mul3A_640 : vector<64x128xi32>
    %add3A_642 = arith.addi %mul3A_636, %mul3A_641 : vector<64x128xi32>
    %add3A_643 = arith.addi %add3A_625, %add3A_642 : vector<64x128xi32>
    %get3A_644 = arith.constant 4 : index
    %get3A_645 = memref.load %arg3[%get3A_644] : memref<8xi32, #tpu.memory_space<smem>>
    %eq3A_646 = arith.constant 0 : i32
    %eq3A_647 = arith.cmpi eq, %get3A_645, %eq3A_646 : i32
    %jit3A_648 = arith.constant 1 : i32
    %select_n3A_649 = arith.select %eq3A_647, %jit3A_648, %get3A_645 : i32
    %rem3A_650 = vector.broadcast %select_n3A_649 : i32 to vector<64x128xi32>
    %rem3A_651 = arith.remsi %add3A_643, %rem3A_650 : vector<64x128xi32>
    %ne3A_652 = arith.constant 0 : i32
    %ne3A_653 = vector.broadcast %ne3A_652 : i32 to vector<64x128xi32>
    %ne3A_654 = arith.cmpi ne, %rem3A_651, %ne3A_653 : vector<64x128xi32>
    %lt3A_655 = arith.constant 0 : i32
    %lt3A_656 = vector.broadcast %lt3A_655 : i32 to vector<64x128xi32>
    %lt3A_657 = arith.cmpi slt, %rem3A_651, %lt3A_656 : vector<64x128xi32>
    %lt3A_658 = arith.constant 0 : i32
    %lt3A_659 = arith.cmpi slt, %select_n3A_649, %lt3A_658 : i32
    %ne3A_660 = vector.broadcast %lt3A_659 : i1 to vector<64x128xi1>
    %ne3A_661 = vector.broadcast %ne3A_660 : vector<64x128xi1> to vector<64x128xi1>
    %ne3A_662 = arith.xori %lt3A_657, %ne3A_661 : vector<64x128xi1>
    %and3A_663 = arith.andi %ne3A_662, %ne3A_654 : vector<64x128xi1>
    %add3A_664 = vector.broadcast %select_n3A_649 : i32 to vector<64x128xi32>
    %add3A_665 = arith.addi %rem3A_651, %add3A_664 : vector<64x128xi32>
    %select_n3A_666 = arith.select %and3A_663, %add3A_665, %rem3A_651 : vector<64x128xi1>, vector<64x128xi32>
    %get3A_667 = arith.constant 4 : index
    %get3A_668 = memref.load %arg4[%get3A_667] : memref<8xi32, #tpu.memory_space<smem>>
    %add3A_669 = vector.broadcast %get3A_668 : i32 to vector<64x128xi32>
    %add3A_670 = arith.addi %select_n3A_666, %add3A_669 : vector<64x128xi32>
    %swap3A_671 = arith.constant 4 : index
    %swap3A_672 = arith.constant 0 : index
    %swap3A_673 = arith.constant 0 : index
    %swap3A_674 = vector.load %arg5[%swap3A_671, %swap3A_672, %swap3A_673] : memref<8x64x128xi32, #tpu.memory_space<vmem>>, vector<1x64x128xi32>
    %swap3A_675 = vector.shape_cast %swap3A_674 : vector<1x64x128xi32> to vector<64x128xi32>
    %swap3A_676 = vector.shape_cast %add3A_670 : vector<64x128xi32> to vector<1x64x128xi32>
    tpu.vector_store %arg5[%swap3A_671, %swap3A_672, %swap3A_673], %swap3A_676 {strides = array<i32>} : memref<8x64x128xi32, #tpu.memory_space<vmem>>, vector<1x64x128xi32>,
    %and3A_677 = arith.constant 255 : i32
    %and3A_678 = vector.broadcast %and3A_677 : i32 to vector<64x128xi32>
    %and3A_679 = arith.andi %xor3A_569, %and3A_678 : vector<64x128xi32>
    %shift_right_logical3A_680 = arith.constant 8 : i32
    %shift_right_logical3A_681 = vector.broadcast %shift_right_logical3A_680 : i32 to vector<64x128xi32>
    %shift_right_logical3A_682 = arith.shrui %xor3A_569, %shift_right_logical3A_681 : vector<64x128xi32>
    %get3A_683 = arith.constant 5 : index
    %get3A_684 = arith.constant 0 : index
    %get3A_685 = memref.load %arg2[%get3A_683, %get3A_684] : memref<8x8xi32, #tpu.memory_space<smem>>
    %mul3A_686 = vector.broadcast %get3A_685 : i32 to vector<64x128xi32>
    %mul3A_687 = arith.muli %and3A_679, %mul3A_686 : vector<64x128xi32>
    %get3A_688 = arith.constant 5 : index
    %get3A_689 = arith.constant 1 : index
    %get3A_690 = memref.load %arg2[%get3A_688, %get3A_689] : memref<8x8xi32, #tpu.memory_space<smem>>
    %mul3A_691 = vector.broadcast %get3A_690 : i32 to vector<64x128xi32>
    %mul3A_692 = arith.muli %shift_right_logical3A_682, %mul3A_691 : vector<64x128xi32>
    %add3A_693 = arith.addi %mul3A_687, %mul3A_692 : vector<64x128xi32>
    %and3A_694 = arith.constant 255 : i32
    %and3A_695 = vector.broadcast %and3A_694 : i32 to vector<64x128xi32>
    %and3A_696 = arith.andi %xor3A_570, %and3A_695 : vector<64x128xi32>
    %shift_right_logical3A_697 = arith.constant 8 : i32
    %shift_right_logical3A_698 = vector.broadcast %shift_right_logical3A_697 : i32 to vector<64x128xi32>
    %shift_right_logical3A_699 = arith.shrui %xor3A_570, %shift_right_logical3A_698 : vector<64x128xi32>
    %get3A_700 = arith.constant 5 : index
    %get3A_701 = arith.constant 2 : index
    %get3A_702 = memref.load %arg2[%get3A_700, %get3A_701] : memref<8x8xi32, #tpu.memory_space<smem>>
    %mul3A_703 = vector.broadcast %get3A_702 : i32 to vector<64x128xi32>
    %mul3A_704 = arith.muli %and3A_696, %mul3A_703 : vector<64x128xi32>
    %get3A_705 = arith.constant 5 : index
    %get3A_706 = arith.constant 3 : index
    %get3A_707 = memref.load %arg2[%get3A_705, %get3A_706] : memref<8x8xi32, #tpu.memory_space<smem>>
    %mul3A_708 = vector.broadcast %get3A_707 : i32 to vector<64x128xi32>
    %mul3A_709 = arith.muli %shift_right_logical3A_699, %mul3A_708 : vector<64x128xi32>
    %add3A_710 = arith.addi %mul3A_704, %mul3A_709 : vector<64x128xi32>
    %add3A_711 = arith.addi %add3A_693, %add3A_710 : vector<64x128xi32>
    %and3A_712 = arith.constant 255 : i32
    %and3A_713 = vector.broadcast %and3A_712 : i32 to vector<64x128xi32>
    %and3A_714 = arith.andi %xor3A_571, %and3A_713 : vector<64x128xi32>
    %shift_right_logical3A_715 = arith.constant 8 : i32
    %shift_right_logical3A_716 = vector.broadcast %shift_right_logical3A_715 : i32 to vector<64x128xi32>
    %shift_right_logical3A_717 = arith.shrui %xor3A_571, %shift_right_logical3A_716 : vector<64x128xi32>
    %get3A_718 = arith.constant 5 : index
    %get3A_719 = arith.constant 4 : index
    %get3A_720 = memref.load %arg2[%get3A_718, %get3A_719] : memref<8x8xi32, #tpu.memory_space<smem>>
    %mul3A_721 = vector.broadcast %get3A_720 : i32 to vector<64x128xi32>
    %mul3A_722 = arith.muli %and3A_714, %mul3A_721 : vector<64x128xi32>
    %get3A_723 = arith.constant 5 : index
    %get3A_724 = arith.constant 5 : index
    %get3A_725 = memref.load %arg2[%get3A_723, %get3A_724] : memref<8x8xi32, #tpu.memory_space<smem>>
    %mul3A_726 = vector.broadcast %get3A_725 : i32 to vector<64x128xi32>
    %mul3A_727 = arith.muli %shift_right_logical3A_717, %mul3A_726 : vector<64x128xi32>
    %add3A_728 = arith.addi %mul3A_722, %mul3A_727 : vector<64x128xi32>
    %add3A_729 = arith.addi %add3A_711, %add3A_728 : vector<64x128xi32>
    %and3A_730 = arith.constant 255 : i32
    %and3A_731 = vector.broadcast %and3A_730 : i32 to vector<64x128xi32>
    %and3A_732 = arith.andi %xor3A_572, %and3A_731 : vector<64x128xi32>
    %shift_right_logical3A_733 = arith.constant 8 : i32
    %shift_right_logical3A_734 = vector.broadcast %shift_right_logical3A_733 : i32 to vector<64x128xi32>
    %shift_right_logical3A_735 = arith.shrui %xor3A_572, %shift_right_logical3A_734 : vector<64x128xi32>
    %get3A_736 = arith.constant 5 : index
    %get3A_737 = arith.constant 6 : index
    %get3A_738 = memref.load %arg2[%get3A_736, %get3A_737] : memref<8x8xi32, #tpu.memory_space<smem>>
    %mul3A_739 = vector.broadcast %get3A_738 : i32 to vector<64x128xi32>
    %mul3A_740 = arith.muli %and3A_732, %mul3A_739 : vector<64x128xi32>
    %get3A_741 = arith.constant 5 : index
    %get3A_742 = arith.constant 7 : index
    %get3A_743 = memref.load %arg2[%get3A_741, %get3A_742] : memref<8x8xi32, #tpu.memory_space<smem>>
    %mul3A_744 = vector.broadcast %get3A_743 : i32 to vector<64x128xi32>
    %mul3A_745 = arith.muli %shift_right_logical3A_735, %mul3A_744 : vector<64x128xi32>
    %add3A_746 = arith.addi %mul3A_740, %mul3A_745 : vector<64x128xi32>
    %add3A_747 = arith.addi %add3A_729, %add3A_746 : vector<64x128xi32>
    %get3A_748 = arith.constant 5 : index
    %get3A_749 = memref.load %arg3[%get3A_748] : memref<8xi32, #tpu.memory_space<smem>>
    %eq3A_750 = arith.constant 0 : i32
    %eq3A_751 = arith.cmpi eq, %get3A_749, %eq3A_750 : i32
    %jit3A_752 = arith.constant 1 : i32
    %select_n3A_753 = arith.select %eq3A_751, %jit3A_752, %get3A_749 : i32
    %rem3A_754 = vector.broadcast %select_n3A_753 : i32 to vector<64x128xi32>
    %rem3A_755 = arith.remsi %add3A_747, %rem3A_754 : vector<64x128xi32>
    %ne3A_756 = arith.constant 0 : i32
    %ne3A_757 = vector.broadcast %ne3A_756 : i32 to vector<64x128xi32>
    %ne3A_758 = arith.cmpi ne, %rem3A_755, %ne3A_757 : vector<64x128xi32>
    %lt3A_759 = arith.constant 0 : i32
    %lt3A_760 = vector.broadcast %lt3A_759 : i32 to vector<64x128xi32>
    %lt3A_761 = arith.cmpi slt, %rem3A_755, %lt3A_760 : vector<64x128xi32>
    %lt3A_762 = arith.constant 0 : i32
    %lt3A_763 = arith.cmpi slt, %select_n3A_753, %lt3A_762 : i32
    %ne3A_764 = vector.broadcast %lt3A_763 : i1 to vector<64x128xi1>
    %ne3A_765 = vector.broadcast %ne3A_764 : vector<64x128xi1> to vector<64x128xi1>
    %ne3A_766 = arith.xori %lt3A_761, %ne3A_765 : vector<64x128xi1>
    %and3A_767 = arith.andi %ne3A_766, %ne3A_758 : vector<64x128xi1>
    %add3A_768 = vector.broadcast %select_n3A_753 : i32 to vector<64x128xi32>
    %add3A_769 = arith.addi %rem3A_755, %add3A_768 : vector<64x128xi32>
    %select_n3A_770 = arith.select %and3A_767, %add3A_769, %rem3A_755 : vector<64x128xi1>, vector<64x128xi32>
    %get3A_771 = arith.constant 5 : index
    %get3A_772 = memref.load %arg4[%get3A_771] : memref<8xi32, #tpu.memory_space<smem>>
    %add3A_773 = vector.broadcast %get3A_772 : i32 to vector<64x128xi32>
    %add3A_774 = arith.addi %select_n3A_770, %add3A_773 : vector<64x128xi32>
    %swap3A_775 = arith.constant 5 : index
    %swap3A_776 = arith.constant 0 : index
    %swap3A_777 = arith.constant 0 : index
    %swap3A_778 = vector.load %arg5[%swap3A_775, %swap3A_776, %swap3A_777] : memref<8x64x128xi32, #tpu.memory_space<vmem>>, vector<1x64x128xi32>
    %swap3A_779 = vector.shape_cast %swap3A_778 : vector<1x64x128xi32> to vector<64x128xi32>
    %swap3A_780 = vector.shape_cast %add3A_774 : vector<64x128xi32> to vector<1x64x128xi32>
    tpu.vector_store %arg5[%swap3A_775, %swap3A_776, %swap3A_777], %swap3A_780 {strides = array<i32>} : memref<8x64x128xi32, #tpu.memory_space<vmem>>, vector<1x64x128xi32>,
    %and3A_781 = arith.constant 255 : i32
    %and3A_782 = vector.broadcast %and3A_781 : i32 to vector<64x128xi32>
    %and3A_783 = arith.andi %xor3A_569, %and3A_782 : vector<64x128xi32>
    %shift_right_logical3A_784 = arith.constant 8 : i32
    %shift_right_logical3A_785 = vector.broadcast %shift_right_logical3A_784 : i32 to vector<64x128xi32>
    %shift_right_logical3A_786 = arith.shrui %xor3A_569, %shift_right_logical3A_785 : vector<64x128xi32>
    %get3A_787 = arith.constant 6 : index
    %get3A_788 = arith.constant 0 : index
    %get3A_789 = memref.load %arg2[%get3A_787, %get3A_788] : memref<8x8xi32, #tpu.memory_space<smem>>
    %mul3A_790 = vector.broadcast %get3A_789 : i32 to vector<64x128xi32>
    %mul3A_791 = arith.muli %and3A_783, %mul3A_790 : vector<64x128xi32>
    %get3A_792 = arith.constant 6 : index
    %get3A_793 = arith.constant 1 : index
    %get3A_794 = memref.load %arg2[%get3A_792, %get3A_793] : memref<8x8xi32, #tpu.memory_space<smem>>
    %mul3A_795 = vector.broadcast %get3A_794 : i32 to vector<64x128xi32>
    %mul3A_796 = arith.muli %shift_right_logical3A_786, %mul3A_795 : vector<64x128xi32>
    %add3A_797 = arith.addi %mul3A_791, %mul3A_796 : vector<64x128xi32>
    %and3A_798 = arith.constant 255 : i32
    %and3A_799 = vector.broadcast %and3A_798 : i32 to vector<64x128xi32>
    %and3A_800 = arith.andi %xor3A_570, %and3A_799 : vector<64x128xi32>
    %shift_right_logical3A_801 = arith.constant 8 : i32
    %shift_right_logical3A_802 = vector.broadcast %shift_right_logical3A_801 : i32 to vector<64x128xi32>
    %shift_right_logical3A_803 = arith.shrui %xor3A_570, %shift_right_logical3A_802 : vector<64x128xi32>
    %get3A_804 = arith.constant 6 : index
    %get3A_805 = arith.constant 2 : index
    %get3A_806 = memref.load %arg2[%get3A_804, %get3A_805] : memref<8x8xi32, #tpu.memory_space<smem>>
    %mul3A_807 = vector.broadcast %get3A_806 : i32 to vector<64x128xi32>
    %mul3A_808 = arith.muli %and3A_800, %mul3A_807 : vector<64x128xi32>
    %get3A_809 = arith.constant 6 : index
    %get3A_810 = arith.constant 3 : index
    %get3A_811 = memref.load %arg2[%get3A_809, %get3A_810] : memref<8x8xi32, #tpu.memory_space<smem>>
    %mul3A_812 = vector.broadcast %get3A_811 : i32 to vector<64x128xi32>
    %mul3A_813 = arith.muli %shift_right_logical3A_803, %mul3A_812 : vector<64x128xi32>
    %add3A_814 = arith.addi %mul3A_808, %mul3A_813 : vector<64x128xi32>
    %add3A_815 = arith.addi %add3A_797, %add3A_814 : vector<64x128xi32>
    %and3A_816 = arith.constant 255 : i32
    %and3A_817 = vector.broadcast %and3A_816 : i32 to vector<64x128xi32>
    %and3A_818 = arith.andi %xor3A_571, %and3A_817 : vector<64x128xi32>
    %shift_right_logical3A_819 = arith.constant 8 : i32
    %shift_right_logical3A_820 = vector.broadcast %shift_right_logical3A_819 : i32 to vector<64x128xi32>
    %shift_right_logical3A_821 = arith.shrui %xor3A_571, %shift_right_logical3A_820 : vector<64x128xi32>
    %get3A_822 = arith.constant 6 : index
    %get3A_823 = arith.constant 4 : index
    %get3A_824 = memref.load %arg2[%get3A_822, %get3A_823] : memref<8x8xi32, #tpu.memory_space<smem>>
    %mul3A_825 = vector.broadcast %get3A_824 : i32 to vector<64x128xi32>
    %mul3A_826 = arith.muli %and3A_818, %mul3A_825 : vector<64x128xi32>
    %get3A_827 = arith.constant 6 : index
    %get3A_828 = arith.constant 5 : index
    %get3A_829 = memref.load %arg2[%get3A_827, %get3A_828] : memref<8x8xi32, #tpu.memory_space<smem>>
    %mul3A_830 = vector.broadcast %get3A_829 : i32 to vector<64x128xi32>
    %mul3A_831 = arith.muli %shift_right_logical3A_821, %mul3A_830 : vector<64x128xi32>
    %add3A_832 = arith.addi %mul3A_826, %mul3A_831 : vector<64x128xi32>
    %add3A_833 = arith.addi %add3A_815, %add3A_832 : vector<64x128xi32>
    %and3A_834 = arith.constant 255 : i32
    %and3A_835 = vector.broadcast %and3A_834 : i32 to vector<64x128xi32>
    %and3A_836 = arith.andi %xor3A_572, %and3A_835 : vector<64x128xi32>
    %shift_right_logical3A_837 = arith.constant 8 : i32
    %shift_right_logical3A_838 = vector.broadcast %shift_right_logical3A_837 : i32 to vector<64x128xi32>
    %shift_right_logical3A_839 = arith.shrui %xor3A_572, %shift_right_logical3A_838 : vector<64x128xi32>
    %get3A_840 = arith.constant 6 : index
    %get3A_841 = arith.constant 6 : index
    %get3A_842 = memref.load %arg2[%get3A_840, %get3A_841] : memref<8x8xi32, #tpu.memory_space<smem>>
    %mul3A_843 = vector.broadcast %get3A_842 : i32 to vector<64x128xi32>
    %mul3A_844 = arith.muli %and3A_836, %mul3A_843 : vector<64x128xi32>
    %get3A_845 = arith.constant 6 : index
    %get3A_846 = arith.constant 7 : index
    %get3A_847 = memref.load %arg2[%get3A_845, %get3A_846] : memref<8x8xi32, #tpu.memory_space<smem>>
    %mul3A_848 = vector.broadcast %get3A_847 : i32 to vector<64x128xi32>
    %mul3A_849 = arith.muli %shift_right_logical3A_839, %mul3A_848 : vector<64x128xi32>
    %add3A_850 = arith.addi %mul3A_844, %mul3A_849 : vector<64x128xi32>
    %add3A_851 = arith.addi %add3A_833, %add3A_850 : vector<64x128xi32>
    %get3A_852 = arith.constant 6 : index
    %get3A_853 = memref.load %arg3[%get3A_852] : memref<8xi32, #tpu.memory_space<smem>>
    %eq3A_854 = arith.constant 0 : i32
    %eq3A_855 = arith.cmpi eq, %get3A_853, %eq3A_854 : i32
    %jit3A_856 = arith.constant 1 : i32
    %select_n3A_857 = arith.select %eq3A_855, %jit3A_856, %get3A_853 : i32
    %rem3A_858 = vector.broadcast %select_n3A_857 : i32 to vector<64x128xi32>
    %rem3A_859 = arith.remsi %add3A_851, %rem3A_858 : vector<64x128xi32>
    %ne3A_860 = arith.constant 0 : i32
    %ne3A_861 = vector.broadcast %ne3A_860 : i32 to vector<64x128xi32>
    %ne3A_862 = arith.cmpi ne, %rem3A_859, %ne3A_861 : vector<64x128xi32>
    %lt3A_863 = arith.constant 0 : i32
    %lt3A_864 = vector.broadcast %lt3A_863 : i32 to vector<64x128xi32>
    %lt3A_865 = arith.cmpi slt, %rem3A_859, %lt3A_864 : vector<64x128xi32>
    %lt3A_866 = arith.constant 0 : i32
    %lt3A_867 = arith.cmpi slt, %select_n3A_857, %lt3A_866 : i32
    %ne3A_868 = vector.broadcast %lt3A_867 : i1 to vector<64x128xi1>
    %ne3A_869 = vector.broadcast %ne3A_868 : vector<64x128xi1> to vector<64x128xi1>
    %ne3A_870 = arith.xori %lt3A_865, %ne3A_869 : vector<64x128xi1>
    %and3A_871 = arith.andi %ne3A_870, %ne3A_862 : vector<64x128xi1>
    %add3A_872 = vector.broadcast %select_n3A_857 : i32 to vector<64x128xi32>
    %add3A_873 = arith.addi %rem3A_859, %add3A_872 : vector<64x128xi32>
    %select_n3A_874 = arith.select %and3A_871, %add3A_873, %rem3A_859 : vector<64x128xi1>, vector<64x128xi32>
    %get3A_875 = arith.constant 6 : index
    %get3A_876 = memref.load %arg4[%get3A_875] : memref<8xi32, #tpu.memory_space<smem>>
    %add3A_877 = vector.broadcast %get3A_876 : i32 to vector<64x128xi32>
    %add3A_878 = arith.addi %select_n3A_874, %add3A_877 : vector<64x128xi32>
    %swap3A_879 = arith.constant 6 : index
    %swap3A_880 = arith.constant 0 : index
    %swap3A_881 = arith.constant 0 : index
    %swap3A_882 = vector.load %arg5[%swap3A_879, %swap3A_880, %swap3A_881] : memref<8x64x128xi32, #tpu.memory_space<vmem>>, vector<1x64x128xi32>
    %swap3A_883 = vector.shape_cast %swap3A_882 : vector<1x64x128xi32> to vector<64x128xi32>
    %swap3A_884 = vector.shape_cast %add3A_878 : vector<64x128xi32> to vector<1x64x128xi32>
    tpu.vector_store %arg5[%swap3A_879, %swap3A_880, %swap3A_881], %swap3A_884 {strides = array<i32>} : memref<8x64x128xi32, #tpu.memory_space<vmem>>, vector<1x64x128xi32>,
    %and3A_885 = arith.constant 255 : i32
    %and3A_886 = vector.broadcast %and3A_885 : i32 to vector<64x128xi32>
    %and3A_887 = arith.andi %xor3A_569, %and3A_886 : vector<64x128xi32>
    %shift_right_logical3A_888 = arith.constant 8 : i32
    %shift_right_logical3A_889 = vector.broadcast %shift_right_logical3A_888 : i32 to vector<64x128xi32>
    %shift_right_logical3A_890 = arith.shrui %xor3A_569, %shift_right_logical3A_889 : vector<64x128xi32>
    %get3A_891 = arith.constant 7 : index
    %get3A_892 = arith.constant 0 : index
    %get3A_893 = memref.load %arg2[%get3A_891, %get3A_892] : memref<8x8xi32, #tpu.memory_space<smem>>
    %mul3A_894 = vector.broadcast %get3A_893 : i32 to vector<64x128xi32>
    %mul3A_895 = arith.muli %and3A_887, %mul3A_894 : vector<64x128xi32>
    %get3A_896 = arith.constant 7 : index
    %get3A_897 = arith.constant 1 : index
    %get3A_898 = memref.load %arg2[%get3A_896, %get3A_897] : memref<8x8xi32, #tpu.memory_space<smem>>
    %mul3A_899 = vector.broadcast %get3A_898 : i32 to vector<64x128xi32>
    %mul3A_900 = arith.muli %shift_right_logical3A_890, %mul3A_899 : vector<64x128xi32>
    %add3A_901 = arith.addi %mul3A_895, %mul3A_900 : vector<64x128xi32>
    %and3A_902 = arith.constant 255 : i32
    %and3A_903 = vector.broadcast %and3A_902 : i32 to vector<64x128xi32>
    %and3A_904 = arith.andi %xor3A_570, %and3A_903 : vector<64x128xi32>
    %shift_right_logical3A_905 = arith.constant 8 : i32
    %shift_right_logical3A_906 = vector.broadcast %shift_right_logical3A_905 : i32 to vector<64x128xi32>
    %shift_right_logical3A_907 = arith.shrui %xor3A_570, %shift_right_logical3A_906 : vector<64x128xi32>
    %get3A_908 = arith.constant 7 : index
    %get3A_909 = arith.constant 2 : index
    %get3A_910 = memref.load %arg2[%get3A_908, %get3A_909] : memref<8x8xi32, #tpu.memory_space<smem>>
    %mul3A_911 = vector.broadcast %get3A_910 : i32 to vector<64x128xi32>
    %mul3A_912 = arith.muli %and3A_904, %mul3A_911 : vector<64x128xi32>
    %get3A_913 = arith.constant 7 : index
    %get3A_914 = arith.constant 3 : index
    %get3A_915 = memref.load %arg2[%get3A_913, %get3A_914] : memref<8x8xi32, #tpu.memory_space<smem>>
    %mul3A_916 = vector.broadcast %get3A_915 : i32 to vector<64x128xi32>
    %mul3A_917 = arith.muli %shift_right_logical3A_907, %mul3A_916 : vector<64x128xi32>
    %add3A_918 = arith.addi %mul3A_912, %mul3A_917 : vector<64x128xi32>
    %add3A_919 = arith.addi %add3A_901, %add3A_918 : vector<64x128xi32>
    %and3A_920 = arith.constant 255 : i32
    %and3A_921 = vector.broadcast %and3A_920 : i32 to vector<64x128xi32>
    %and3A_922 = arith.andi %xor3A_571, %and3A_921 : vector<64x128xi32>
    %shift_right_logical3A_923 = arith.constant 8 : i32
    %shift_right_logical3A_924 = vector.broadcast %shift_right_logical3A_923 : i32 to vector<64x128xi32>
    %shift_right_logical3A_925 = arith.shrui %xor3A_571, %shift_right_logical3A_924 : vector<64x128xi32>
    %get3A_926 = arith.constant 7 : index
    %get3A_927 = arith.constant 4 : index
    %get3A_928 = memref.load %arg2[%get3A_926, %get3A_927] : memref<8x8xi32, #tpu.memory_space<smem>>
    %mul3A_929 = vector.broadcast %get3A_928 : i32 to vector<64x128xi32>
    %mul3A_930 = arith.muli %and3A_922, %mul3A_929 : vector<64x128xi32>
    %get3A_931 = arith.constant 7 : index
    %get3A_932 = arith.constant 5 : index
    %get3A_933 = memref.load %arg2[%get3A_931, %get3A_932] : memref<8x8xi32, #tpu.memory_space<smem>>
    %mul3A_934 = vector.broadcast %get3A_933 : i32 to vector<64x128xi32>
    %mul3A_935 = arith.muli %shift_right_logical3A_925, %mul3A_934 : vector<64x128xi32>
    %add3A_936 = arith.addi %mul3A_930, %mul3A_935 : vector<64x128xi32>
    %add3A_937 = arith.addi %add3A_919, %add3A_936 : vector<64x128xi32>
    %and3A_938 = arith.constant 255 : i32
    %and3A_939 = vector.broadcast %and3A_938 : i32 to vector<64x128xi32>
    %and3A_940 = arith.andi %xor3A_572, %and3A_939 : vector<64x128xi32>
    %shift_right_logical3A_941 = arith.constant 8 : i32
    %shift_right_logical3A_942 = vector.broadcast %shift_right_logical3A_941 : i32 to vector<64x128xi32>
    %shift_right_logical3A_943 = arith.shrui %xor3A_572, %shift_right_logical3A_942 : vector<64x128xi32>
    %get3A_944 = arith.constant 7 : index
    %get3A_945 = arith.constant 6 : index
    %get3A_946 = memref.load %arg2[%get3A_944, %get3A_945] : memref<8x8xi32, #tpu.memory_space<smem>>
    %mul3A_947 = vector.broadcast %get3A_946 : i32 to vector<64x128xi32>
    %mul3A_948 = arith.muli %and3A_940, %mul3A_947 : vector<64x128xi32>
    %get3A_949 = arith.constant 7 : index
    %get3A_950 = arith.constant 7 : index
    %get3A_951 = memref.load %arg2[%get3A_949, %get3A_950] : memref<8x8xi32, #tpu.memory_space<smem>>
    %mul3A_952 = vector.broadcast %get3A_951 : i32 to vector<64x128xi32>
    %mul3A_953 = arith.muli %shift_right_logical3A_943, %mul3A_952 : vector<64x128xi32>
    %add3A_954 = arith.addi %mul3A_948, %mul3A_953 : vector<64x128xi32>
    %add3A_955 = arith.addi %add3A_937, %add3A_954 : vector<64x128xi32>
    %get3A_956 = arith.constant 7 : index
    %get3A_957 = memref.load %arg3[%get3A_956] : memref<8xi32, #tpu.memory_space<smem>>
    %eq3A_958 = arith.constant 0 : i32
    %eq3A_959 = arith.cmpi eq, %get3A_957, %eq3A_958 : i32
    %jit3A_960 = arith.constant 1 : i32
    %select_n3A_961 = arith.select %eq3A_959, %jit3A_960, %get3A_957 : i32
    %rem3A_962 = vector.broadcast %select_n3A_961 : i32 to vector<64x128xi32>
    %rem3A_963 = arith.remsi %add3A_955, %rem3A_962 : vector<64x128xi32>
    %ne3A_964 = arith.constant 0 : i32
    %ne3A_965 = vector.broadcast %ne3A_964 : i32 to vector<64x128xi32>
    %ne3A_966 = arith.cmpi ne, %rem3A_963, %ne3A_965 : vector<64x128xi32>
    %lt3A_967 = arith.constant 0 : i32
    %lt3A_968 = vector.broadcast %lt3A_967 : i32 to vector<64x128xi32>
    %lt3A_969 = arith.cmpi slt, %rem3A_963, %lt3A_968 : vector<64x128xi32>
    %lt3A_970 = arith.constant 0 : i32
    %lt3A_971 = arith.cmpi slt, %select_n3A_961, %lt3A_970 : i32
    %ne3A_972 = vector.broadcast %lt3A_971 : i1 to vector<64x128xi1>
    %ne3A_973 = vector.broadcast %ne3A_972 : vector<64x128xi1> to vector<64x128xi1>
    %ne3A_974 = arith.xori %lt3A_969, %ne3A_973 : vector<64x128xi1>
    %and3A_975 = arith.andi %ne3A_974, %ne3A_966 : vector<64x128xi1>
    %add3A_976 = vector.broadcast %select_n3A_961 : i32 to vector<64x128xi32>
    %add3A_977 = arith.addi %rem3A_963, %add3A_976 : vector<64x128xi32>
    %select_n3A_978 = arith.select %and3A_975, %add3A_977, %rem3A_963 : vector<64x128xi1>, vector<64x128xi32>
    %get3A_979 = arith.constant 7 : index
    %get3A_980 = memref.load %arg4[%get3A_979] : memref<8xi32, #tpu.memory_space<smem>>
    %add3A_981 = vector.broadcast %get3A_980 : i32 to vector<64x128xi32>
    %add3A_982 = arith.addi %select_n3A_978, %add3A_981 : vector<64x128xi32>
    %swap3A_983 = arith.constant 7 : index
    %swap3A_984 = arith.constant 0 : index
    %swap3A_985 = arith.constant 0 : index
    %swap3A_986 = vector.load %arg5[%swap3A_983, %swap3A_984, %swap3A_985] : memref<8x64x128xi32, #tpu.memory_space<vmem>>, vector<1x64x128xi32>
    %swap3A_987 = vector.shape_cast %swap3A_986 : vector<1x64x128xi32> to vector<64x128xi32>
    %swap3A_988 = vector.shape_cast %add3A_982 : vector<64x128xi32> to vector<1x64x128xi32>
    tpu.vector_store %arg5[%swap3A_983, %swap3A_984, %swap3A_985], %swap3A_988 {strides = array<i32>} : memref<8x64x128xi32, #tpu.memory_space<vmem>>, vector<1x64x128xi32>,
    return
  }
}

module attributes {stable_mosaic.version = 14 : i64} {
  func.func @_proj_body(%arg0: i32, %arg1: memref<8x512x64xf32, #tpu.memory_space<vmem>>, %arg2: memref<512x2048xf32, #tpu.memory_space<vmem>>, %arg3: memref<2048x512xbf16, #tpu.memory_space<vmem>>, %arg4: memref<2048x512xbf16, #tpu.memory_space<vmem>>, %arg5: memref<1x2048xf32, #tpu.memory_space<vmem>>, %arg6: memref<1x2048xf32, #tpu.memory_space<vmem>>, %arg7: memref<512x2048xf32, #tpu.memory_space<vmem>>) attributes {dimension_semantics = [#tpu.dimension_semantics<arbitrary>], iteration_bounds = array<i64: 16>, scalar_prefetch = 0 : i64, scratch_operands = 0 : i64, tpu.core_type = #tpu.core_type<tc>, window_params = [{transform_indices = @transform_0, window_bounds = array<i64: 8, 512, 64>}, {transform_indices = @transform_1, window_bounds = array<i64: 512, 2048>}, {transform_indices = @transform_2, window_bounds = array<i64: 2048, 512>}, {transform_indices = @transform_3, window_bounds = array<i64: 2048, 512>}, {transform_indices = @transform_4, window_bounds = array<i64: 1, 2048>}, {transform_indices = @transform_5, window_bounds = array<i64: 1, 2048>}, {transform_indices = @transform_6, window_bounds = array<i64: 512, 2048>}]} {
    %get3A = arith.constant 0 : index
    %get3A_0 = arith.constant 0 : index
    %get3A_1 = arith.constant 0 : index
    %get3A_2 = vector.load %arg1[%get3A, %get3A_0, %get3A_1] : memref<8x512x64xf32, #tpu.memory_space<vmem>>, vector<8x512x64xf32>
    %slice3A = vector.extract_strided_slice %get3A_2 {offsets = [0, 0, 0], sizes = [1, 512, 64], strides = [1, 1, 1]} : vector<8x512x64xf32> to vector<1x512x64xf32>
    %squeeze3A = vector.shape_cast %slice3A : vector<1x512x64xf32> to vector<512x64xf32>
    %slice3A_3 = vector.extract_strided_slice %get3A_2 {offsets = [1, 0, 0], sizes = [1, 512, 64], strides = [1, 1, 1]} : vector<8x512x64xf32> to vector<1x512x64xf32>
    %squeeze3A_4 = vector.shape_cast %slice3A_3 : vector<1x512x64xf32> to vector<512x64xf32>
    %slice3A_5 = vector.extract_strided_slice %get3A_2 {offsets = [2, 0, 0], sizes = [1, 512, 64], strides = [1, 1, 1]} : vector<8x512x64xf32> to vector<1x512x64xf32>
    %squeeze3A_6 = vector.shape_cast %slice3A_5 : vector<1x512x64xf32> to vector<512x64xf32>
    %slice3A_7 = vector.extract_strided_slice %get3A_2 {offsets = [3, 0, 0], sizes = [1, 512, 64], strides = [1, 1, 1]} : vector<8x512x64xf32> to vector<1x512x64xf32>
    %squeeze3A_8 = vector.shape_cast %slice3A_7 : vector<1x512x64xf32> to vector<512x64xf32>
    %slice3A_9 = vector.extract_strided_slice %get3A_2 {offsets = [4, 0, 0], sizes = [1, 512, 64], strides = [1, 1, 1]} : vector<8x512x64xf32> to vector<1x512x64xf32>
    %squeeze3A_10 = vector.shape_cast %slice3A_9 : vector<1x512x64xf32> to vector<512x64xf32>
    %slice3A_11 = vector.extract_strided_slice %get3A_2 {offsets = [5, 0, 0], sizes = [1, 512, 64], strides = [1, 1, 1]} : vector<8x512x64xf32> to vector<1x512x64xf32>
    %squeeze3A_12 = vector.shape_cast %slice3A_11 : vector<1x512x64xf32> to vector<512x64xf32>
    %slice3A_13 = vector.extract_strided_slice %get3A_2 {offsets = [6, 0, 0], sizes = [1, 512, 64], strides = [1, 1, 1]} : vector<8x512x64xf32> to vector<1x512x64xf32>
    %squeeze3A_14 = vector.shape_cast %slice3A_13 : vector<1x512x64xf32> to vector<512x64xf32>
    %slice3A_15 = vector.extract_strided_slice %get3A_2 {offsets = [7, 0, 0], sizes = [1, 512, 64], strides = [1, 1, 1]} : vector<8x512x64xf32> to vector<1x512x64xf32>
    %squeeze3A_16 = vector.shape_cast %slice3A_15 : vector<1x512x64xf32> to vector<512x64xf32>
    %concatenate3A = tpu.concatenate %squeeze3A, %squeeze3A_4, %squeeze3A_6, %squeeze3A_8, %squeeze3A_10, %squeeze3A_12, %squeeze3A_14, %squeeze3A_16 in 1 : vector<512x64xf32>, vector<512x64xf32>, vector<512x64xf32>, vector<512x64xf32>, vector<512x64xf32>, vector<512x64xf32>, vector<512x64xf32>, vector<512x64xf32> -> vector<512x512xf32>
    %convert_element_type3A = arith.truncf %concatenate3A : vector<512x512xf32> to vector<512x512xbf16>
    %get3A_17 = arith.constant 0 : index
    %get3A_18 = arith.constant 0 : index
    %get3A_19 = vector.load %arg3[%get3A_17, %get3A_18] : memref<2048x512xbf16, #tpu.memory_space<vmem>>, vector<2048x512xbf16>
    %dot_general3A = arith.constant dense<0.000000e+00> : vector<512x2048xf32>
    %dot_general3A_20 = tpu.matmul %convert_element_type3A, %get3A_19, %dot_general3A {dimension_numbers = #tpu.dot_dimension_numbers<[1], [1], [0], [0], [0, 0, 1, 0], [], []>, transpose_lhs_hint = false} : vector<512x512xbf16>, vector<2048x512xbf16>, vector<512x2048xf32> -> vector<512x2048xf32>
    %get3A_21 = arith.constant 0 : index
    %get3A_22 = arith.constant 0 : index
    %get3A_23 = vector.load %arg4[%get3A_21, %get3A_22] : memref<2048x512xbf16, #tpu.memory_space<vmem>>, vector<2048x512xbf16>
    %dot_general3A_24 = arith.constant dense<0.000000e+00> : vector<512x2048xf32>
    %dot_general3A_25 = tpu.matmul %convert_element_type3A, %get3A_23, %dot_general3A_24 {dimension_numbers = #tpu.dot_dimension_numbers<[1], [1], [0], [0], [0, 0, 1, 0], [], []>, transpose_lhs_hint = false} : vector<512x512xbf16>, vector<2048x512xbf16>, vector<512x2048xf32> -> vector<512x2048xf32>
    %get3A_26 = arith.constant 0 : index
    %get3A_27 = arith.constant 0 : index
    %get3A_28 = vector.load %arg2[%get3A_26, %get3A_27] : memref<512x2048xf32, #tpu.memory_space<vmem>>, vector<512x2048xf32>
    %mul3A = arith.mulf %get3A_28, %get3A_28 : vector<512x2048xf32>
    %reduce_sum3A = arith.constant dense<0.000000e+00> : vector<512xf32>
    %reduce_sum3A_29 = vector.multi_reduction <add>, %mul3A, %reduce_sum3A [1] : vector<512x2048xf32> to vector<512xf32>
    %broadcast_in_dim3A = vector.shape_cast %reduce_sum3A_29 : vector<512xf32> to vector<512x1xf32>
    %div3A = arith.constant 2.048000e+03 : f32
    %div3A_30 = vector.broadcast %div3A : f32 to vector<512x1xf32>
    %div3A_31 = arith.divf %broadcast_in_dim3A, %div3A_30 : vector<512x1xf32>
    %add3A = arith.constant 9.99999997E-7 : f32
    %add3A_32 = vector.broadcast %add3A : f32 to vector<512x1xf32>
    %add3A_33 = arith.addf %div3A_31, %add3A_32 : vector<512x1xf32>
    %rsqrt3A = math.rsqrt %add3A_33 : vector<512x1xf32>
    %mul3A_34 = vector.broadcast %rsqrt3A : vector<512x1xf32> to vector<512x2048xf32>
    %mul3A_35 = arith.mulf %get3A_28, %mul3A_34 : vector<512x2048xf32>
    %get3A_36 = arith.constant 0 : index
    %get3A_37 = arith.constant 0 : index
    %get3A_38 = vector.load %arg5[%get3A_36, %get3A_37] : memref<1x2048xf32, #tpu.memory_space<vmem>>, vector<1x2048xf32>
    %mul3A_39 = vector.broadcast %get3A_38 : vector<1x2048xf32> to vector<512x2048xf32>
    %mul3A_40 = arith.mulf %mul3A_35, %mul3A_39 : vector<512x2048xf32>
    %mul3A_41 = arith.mulf %dot_general3A_25, %dot_general3A_25 : vector<512x2048xf32>
    %reduce_sum3A_42 = arith.constant dense<0.000000e+00> : vector<512xf32>
    %reduce_sum3A_43 = vector.multi_reduction <add>, %mul3A_41, %reduce_sum3A_42 [1] : vector<512x2048xf32> to vector<512xf32>
    %broadcast_in_dim3A_44 = vector.shape_cast %reduce_sum3A_43 : vector<512xf32> to vector<512x1xf32>
    %div3A_45 = arith.constant 2.048000e+03 : f32
    %div3A_46 = vector.broadcast %div3A_45 : f32 to vector<512x1xf32>
    %div3A_47 = arith.divf %broadcast_in_dim3A_44, %div3A_46 : vector<512x1xf32>
    %add3A_48 = arith.constant 9.99999997E-7 : f32
    %add3A_49 = vector.broadcast %add3A_48 : f32 to vector<512x1xf32>
    %add3A_50 = arith.addf %div3A_47, %add3A_49 : vector<512x1xf32>
    %rsqrt3A_51 = math.rsqrt %add3A_50 : vector<512x1xf32>
    %mul3A_52 = vector.broadcast %rsqrt3A_51 : vector<512x1xf32> to vector<512x2048xf32>
    %mul3A_53 = arith.mulf %dot_general3A_25, %mul3A_52 : vector<512x2048xf32>
    %get3A_54 = arith.constant 0 : index
    %get3A_55 = arith.constant 0 : index
    %get3A_56 = vector.load %arg6[%get3A_54, %get3A_55] : memref<1x2048xf32, #tpu.memory_space<vmem>>, vector<1x2048xf32>
    %mul3A_57 = vector.broadcast %get3A_56 : vector<1x2048xf32> to vector<512x2048xf32>
    %mul3A_58 = arith.mulf %mul3A_53, %mul3A_57 : vector<512x2048xf32>
    %mul3A_59 = arith.mulf %mul3A_40, %mul3A_58 : vector<512x2048xf32>
    %reduce_sum3A_60 = arith.constant dense<0.000000e+00> : vector<512xf32>
    %reduce_sum3A_61 = vector.multi_reduction <add>, %mul3A_59, %reduce_sum3A_60 [1] : vector<512x2048xf32> to vector<512xf32>
    %broadcast_in_dim3A_62 = vector.shape_cast %reduce_sum3A_61 : vector<512xf32> to vector<512x1xf32>
    %div3A_63 = arith.constant 45.2548332 : f32
    %div3A_64 = vector.broadcast %div3A_63 : f32 to vector<512x1xf32>
    %div3A_65 = arith.divf %broadcast_in_dim3A_62, %div3A_64 : vector<512x1xf32>
    %logistic3A = arith.negf %div3A_65 : vector<512x1xf32>
    %logistic3A_66 = math.exp %logistic3A : vector<512x1xf32>
    %logistic3A_67 = arith.constant 1.000000e+00 : f32
    %logistic3A_68 = vector.broadcast %logistic3A_67 : f32 to vector<512x1xf32>
    %logistic3A_69 = arith.addf %logistic3A_68, %logistic3A_66 : vector<512x1xf32>
    %logistic3A_70 = arith.divf %logistic3A_68, %logistic3A_69 : vector<512x1xf32>
    %mul3A_71 = vector.broadcast %logistic3A_70 : vector<512x1xf32> to vector<512x2048xf32>
    %mul3A_72 = arith.mulf %mul3A_71, %dot_general3A_20 : vector<512x2048xf32>
    %swap3A = arith.constant 0 : index
    %swap3A_73 = arith.constant 0 : index
    %swap3A_74 = vector.load %arg7[%swap3A, %swap3A_73] : memref<512x2048xf32, #tpu.memory_space<vmem>>, vector<512x2048xf32>
    tpu.vector_store %arg7[%swap3A, %swap3A_73], %mul3A_72 {strides = array<i32>} : memref<512x2048xf32, #tpu.memory_space<vmem>>, vector<512x2048xf32>,
    return
  }
  func.func @transform_0(%arg0: i32) -> (i32, i32, i32) {
    %mul3A = arith.constant 0 : i32
    %mul3A_0 = arith.muli %arg0, %mul3A : i32
    %mul3A_1 = arith.constant 0 : i32
    %mul3A_2 = arith.muli %arg0, %mul3A_1 : i32
    %c0_i32 = arith.constant 0 : i32
    return %mul3A_0, %arg0, %mul3A_2 : i32, i32, i32
  }
  func.func @transform_1(%arg0: i32) -> (i32, i32) {
    %mul3A = arith.constant 0 : i32
    %mul3A_0 = arith.muli %arg0, %mul3A : i32
    %c0_i32 = arith.constant 0 : i32
    return %arg0, %mul3A_0 : i32, i32
  }
  func.func @transform_2(%arg0: i32) -> (i32, i32) {
    %mul3A = arith.constant 0 : i32
    %mul3A_0 = arith.muli %arg0, %mul3A : i32
    %mul3A_1 = arith.constant 0 : i32
    %mul3A_2 = arith.muli %arg0, %mul3A_1 : i32
    %c0_i32 = arith.constant 0 : i32
    return %mul3A_0, %mul3A_2 : i32, i32
  }
  func.func @transform_3(%arg0: i32) -> (i32, i32) {
    %mul3A = arith.constant 0 : i32
    %mul3A_0 = arith.muli %arg0, %mul3A : i32
    %mul3A_1 = arith.constant 0 : i32
    %mul3A_2 = arith.muli %arg0, %mul3A_1 : i32
    %c0_i32 = arith.constant 0 : i32
    return %mul3A_0, %mul3A_2 : i32, i32
  }
  func.func @transform_4(%arg0: i32) -> (i32, i32) {
    %mul3A = arith.constant 0 : i32
    %mul3A_0 = arith.muli %arg0, %mul3A : i32
    %mul3A_1 = arith.constant 0 : i32
    %mul3A_2 = arith.muli %arg0, %mul3A_1 : i32
    %c0_i32 = arith.constant 0 : i32
    return %mul3A_0, %mul3A_2 : i32, i32
  }
  func.func @transform_5(%arg0: i32) -> (i32, i32) {
    %mul3A = arith.constant 0 : i32
    %mul3A_0 = arith.muli %arg0, %mul3A : i32
    %mul3A_1 = arith.constant 0 : i32
    %mul3A_2 = arith.muli %arg0, %mul3A_1 : i32
    %c0_i32 = arith.constant 0 : i32
    return %mul3A_0, %mul3A_2 : i32, i32
  }
  func.func @transform_6(%arg0: i32) -> (i32, i32) {
    %mul3A = arith.constant 0 : i32
    %mul3A_0 = arith.muli %arg0, %mul3A : i32
    %c0_i32 = arith.constant 0 : i32
    return %arg0, %mul3A_0 : i32, i32
  }
}

</mosaic_0001>

<sc_bundles>
// kernel: kernel.5.cloned.1.call-start
scs
__scs_entry_jumppad:
0x0: {  	(pc) =	sbr.rel $0x88, $3  }
0x1: {  	(tag) =	ssettag $0x0;
	lr =	simm.s32 $0x1  }
0x2: {  	[smem:$0x3F97] =	sst lr;
	_ =	strace $0xD0000000  }
0x3: {  	_ = 	snop  }
0x4: {  	_ = 	snop  }
0x5: {  	_ = 	snop  }
0x6: {  	_ = 	snop  }
0x7: {  	_ = 	snop  }
__scs_overlays_trampoline_lowered:
0x8: {  	[smem:$0x3FA6] =	sst s0  }
0x9: {  	[smem:$0x3FA7] =	sst s1  }
0xa: {  	[smem:$0x3FA8] =	sst s2  }
0xb: {  	[smem:$0x3FA9] =	sst s3  }
0xc: {  	[smem:$0x3FAA] =	sst s4  }
0xd: {  	[smem:$0x3FAB] =	sst s5  }
0xe: {  	[smem:$0x3FAC] =	sst s6  }
0xf: {  	[smem:$0x3FAD] =	sst s7  }
0x10: {  	[smem:$0x3FAE] =	sst s8  }
0x11: {  	[smem:$0x3FAF] =	sst s9;
	s0 =	simm.s32 @!p0 $0x0  }
0x12: {  	s1 =	sld [smem:$0x3F95];
	s0 =	simm.s32 @p0 $0x1  }
0x13: {  	[smem:$0x3FB0] =	sst s0;
	s0 =	simm.s32 @!p1 $0x0  }
0x14: {  	s2 =	sld [smem:$0x3F94];
	s0 =	simm.s32 @p1 $0x1  }
0x15: {  	[smem:$0x3FB1] =	sst s0;
	s0 =	simm.s32 @!p2 $0x0  }
0x16: {  	s3 =	sld [smem:$0x3FDB];
	s0 =	simm.s32 @p2 $0x1  }
0x17: {  	s4 =	simm.s32 $0x1BF5;
	[smem:$0x3FB3] =	sst s0  }
0x18: {  	s0 =	sld [smem:$0x3F96];
	_ =	swait.ge [sflag:s4], $0x0  }
0x19: {  	s7 =	sld [smem:$0x3F97]  }
0x1a: {  	s8 =	sadd.s32 $0xFFFFE003, lr  }
0x1b: {  	s9 =	sadd.s32 $0xFFFFFEF7, lr;
	s5 =	simm.s32 $0xFFFFFFFF;
	p2 =	slt.u32 s8, $0xFFFFF086  }
0x1c: {  	p1 =	slt.u32 s9, $0xF7A;
	s5 =	simm.s32 @!p2 $0x0  }
0x1d: {  	s5 =	simm.s32 @p1 $0x1;
	p0 =	seq.s32 s7, s2  }
0x1e: {  	s7 =	smul.u32 @!p0 $0xF7A, s2;
	p2 =	seq.s32 @!p0 s5, $0x0  }
0x1f: {  	s9 =	smul.u32 $0xF7A, s1;
	s8 =	simm.s32 @!p0 $0x1BF5;
	p2 =	por !p2, p0  }
0x20: {  	[sflag:s8] =	ssyncset.s32 @!p0 $0xFFFFF086;
	s6 =	sadd.s32 @!p0 s3, s7;
	s7 =	simm.s32 @!p0 $0x108  }
0x21: {  	s3 =	sadd.s32 s3, s9;
	s6 =	sadd.s32 @!p0 $0x88, s6;
	s7 =	simm.s32 @p2 $0x1082  }
0x22: {  	[simem:s7], [sflag:s8] =	dma.local @!p0 [hbm:s6], $0xF7A  }
0x23: {  	s9 =	sor.u32 $0xD0000000, s2;
	s6 =	simm.s32 $0x108;
	_ =	swait.ge @!p0 [sflag:s8], $0x0  }
0x24: {  	s3 =	sadd.s32 $0x88, s3;
	s6 =	simm.s32 @!p1 $0x1082;
	[sflag:s4] =	ssyncset.s32 $0xFFFFF086  }
0x25: {  	[simem:s6], [sflag:s4] =	dma.local [hbm:s3], $0xF7A  }
0x26: {  	[smem:$0x3F97] =	sst s1;
	(tag) =	ssettag s2;
	_ =	strace s9  }
0x27: {  	s1 =	sld [smem:$0x3FA7]  }
0x28: {  	s2 =	sld [smem:$0x3FA8]  }
0x29: {  	s4 =	sld [smem:$0x3FAA]  }
0x2a: {  	p0 =	seq.s32 s5, $0x0;
	s5 =	sld [smem:$0x3FAB]  }
0x2b: {  	s6 =	sld [smem:$0x3FAC]  }
0x2c: {  	s7 =	sld [smem:$0x3FAD]  }
0x2d: {  	s3 =	simm.s32 $0x108;
	s8 =	sld [smem:$0x3FAE]  }
0x2e: {  	s3 =	simm.s32 @!p0 $0x1082;
	s9 =	sld [smem:$0x3FAF]  }
0x2f: {  	lr =	sadd.s32 s0, s3;
	s0 =	sld [smem:$0x3FA6]  }
0x30: {  	s3 =	sld [smem:$0x3FA9]  }
0x31: {  	[smem:$0x3FB2] =	sst s10  }
0x32: {  	s10 =	sld [smem:$0x3FB0];
	_ =	sdelay $0x3  }
0x33: {  	p0 =	seq.s32 s10, $0x1;
	s10 =	sld [smem:$0x3FB2];
	_ =	sdelay $0x3  }
0x34: {  	[smem:$0x3FB2] =	sst s10  }
0x35: {  	s10 =	sld [smem:$0x3FB1];
	_ =	sdelay $0x3  }
0x36: {  	p1 =	seq.s32 s10, $0x1;
	s10 =	sld [smem:$0x3FB2];
	_ =	sdelay $0x3  }
0x37: {  	[smem:$0x3FB2] =	sst s10  }
0x38: {  	s10 =	sld [smem:$0x3FB3]  }
0x39: {  	_ = 	snop;
	(pc) =	sbr.ind lr, $3  }
0x3a: {  	_ = 	snop  }
0x3b: {  	_ = 	snop  }
0x3c: {  	p2 =	seq.s32 s10, $0x1;
	s10 =	sld [smem:$0x3FB2]  }
0x3d: {  	_ =	shalt  }
0x3e: {  	_ =	shalt  }
0x3f: {  	_ =	shalt  }
0x40: {  	_ =	shalt  }
0x41: {  	_ =	shalt  }
0x42: {  	_ =	shalt  }
0x43: {  	_ =	shalt  }
0x44: {  	_ =	shalt  }
0x45: {  	_ =	shalt  }
0x46: {  	_ =	shalt  }
0x47: {  	_ =	shalt  }
0x48: {  	_ =	shalt  }
0x49: {  	_ =	shalt  }
0x4a: {  	_ =	shalt  }
0x4b: {  	_ =	shalt  }
0x4c: {  	_ =	shalt  }
0x4d: {  	_ =	shalt  }
0x4e: {  	_ =	shalt  }
0x4f: {  	_ =	shalt  }
0x50: {  	_ =	shalt  }
0x51: {  	_ =	shalt  }
0x52: {  	_ =	shalt  }
0x53: {  	_ =	shalt  }
0x54: {  	_ =	shalt  }
0x55: {  	_ =	shalt  }
0x56: {  	_ =	shalt  }
0x57: {  	_ =	shalt  }
0x58: {  	_ =	shalt  }
0x59: {  	_ =	shalt  }
0x5a: {  	_ =	shalt  }
0x5b: {  	_ =	shalt  }
0x5c: {  	_ =	shalt  }
0x5d: {  	_ =	shalt  }
0x5e: {  	_ =	shalt  }
0x5f: {  	_ =	shalt  }
0x60: {  	_ =	shalt  }
0x61: {  	_ =	shalt  }
0x62: {  	_ =	shalt  }
0x63: {  	_ =	shalt  }
0x64: {  	_ =	shalt  }
0x65: {  	_ =	shalt  }
0x66: {  	_ =	shalt  }
0x67: {  	_ =	shalt  }
0x68: {  	_ =	shalt  }
0x69: {  	_ =	shalt  }
0x6a: {  	_ =	shalt  }
0x6b: {  	_ =	shalt  }
0x6c: {  	_ =	shalt  }
0x6d: {  	_ =	shalt  }
0x6e: {  	_ =	shalt  }
0x6f: {  	_ =	shalt  }
0x70: {  	_ =	shalt  }
0x71: {  	_ =	shalt  }
0x72: {  	_ =	shalt  }
0x73: {  	_ =	shalt  }
0x74: {  	_ =	shalt  }
0x75: {  	_ =	shalt  }
0x76: {  	_ =	shalt  }
0x77: {  	_ =	shalt  }
0x78: {  	_ =	shalt  }
0x79: {  	_ =	shalt  }
0x7a: {  	_ =	shalt  }
0x7b: {  	_ =	shalt  }
0x7c: {  	_ =	shalt  }
0x7d: {  	_ =	shalt  }
0x7e: {  	_ =	shalt  }
0x7f: {  	_ =	shalt  }
0x80: {  	_ =	shalt  }
0x81: {  	_ =	shalt  }
0x82: {  	_ =	shalt  }
0x83: {  	_ =	shalt  }
0x84: {  	_ =	shalt  }
0x85: {  	_ =	shalt  }
0x86: {  	_ =	shalt  }
0x87: {  	_ =	shalt  }
.Lfunc_end0:
.L_simem_size_0:
called_computation_lowered:
.L_overlay_start_0:
0x88: {  	s2 =	sld [smem:$0x3FD9]  }
0x89: {  	s3 =	sld [smem:$0x3FFE];
	_ =	sdelay $0x1  }
0x8a: {  	s1 =	srdreg.scid  }
0x8b: {  	s0 =	sand.u32 $0x1, s1  }
0x8c: {  	s17 =	sshll.u32 s0, $0xA;
	s2 =	sadd.s32 s3, s2  }
0x8d: {  	s2 =	sadd.s32 s2, s17  }
0x8e: {  	[smem:$0x3FBE] =	sst s2  }
0x8f: {  	_ = 	snop  }
0x90: {  	s2 =	sld [smem:$0x3FD0];
	(tm) =	ssettm $0x1  }
0x91: {  	s18 =	sld [smem:$0x3FFB];
	_ =	sdelay $0x3  }
0x92: {  	_ =	strace s18  }
0x93: {  	s3 =	sld [smem:$0x3FFC];
	_ =	sdelay $0x3  }
0x94: {  	_ =	strace s3  }
0x95: {  	s3 =	sld [smem:$0x3FFD];
	_ =	sdelay $0x3  }
0x96: {  	_ =	strace s3  }
0x97: {  	_ =	strace $0x8FFFFFFF  }
0x98: {  	s19 =	sld [smem:$0x3FDB];
	_ =	sdelay $0x1  }
0x99: {  	s4 =	simm.s32 $_scs_section_size  }
0x9a: {  	s5 =	simm.s32 $_size__tile_overlayer_lowered;
	s6 =	simm.s32 $_tile_overlayer_lowered  }
0x9b: {  	s22 =	simm.s32 $0x1BFF;
	s21 =	sshll.u32 s6, $0x1;
	s3 =	sadd.s32 s4, s19  }
0x9c: {  	s7 =	simm.s32 $0x0;
	s20 =	sshll.u32 s5, $0x1;
	s5 =	sadd.s32 s21, s3  }
0x9d: {  	[timem:s7], [sflag:s22] =	dma.local [hbm:s5], s20  }
0x9e: {  	_ =	swait.ge [sflag:s22], s20  }
0x9f: {  	s4 =	ssub.s32 $0x0, s20;
	[sflag:s22] =	ssyncset.done $0x0  }
0xa0: {  	[sflag:s22] =	ssyncadd.s32 s4;
	_ =	sdelay $0x1  }
0xa1: {  	s23 =	simm.s32 $0x1B8B  }
0xa2: {  	_ =	swait.ge [sflag:s23], $0x1  }
0xa3: {  	[sflag:s23] =	ssyncset.done $0x0  }
0xa4: {  	s25 =	simm.s32 $0x1B8E;
	s24 =	sld [smem:$0x3FFE];
	[sflag:s23] =	ssyncadd.s32 $0xFFFFFFFF  }
0xa5: {  	s26 =	simm.s32 $execute0_lowered;
	[smem:$0x3FD2] =	sst s25  }
0xa6: {  	s5 =	sshll.u32 s26, $0x1;
	_ =	strace $0x80000046;
	[dreg:$0x1] =	wrdreg $0xFFFFFFFF  }
0xa7: {  	s28 =	simm.s32 $_size_execute0_lowered;
	s3 =	sadd.s32 s3, s5;
	[dreg:$0x0] =	wrdreg $0x0  }
0xa8: {  	s5 =	sshll.u32 s28, $0x1;
	[dreg:$0x2] =	wrdreg s3  }
0xa9: {  	[dreg:$0x3] =	wrdreg s5  }
0xaa: {  	[dreg:$0x4] =	wrdreg $0xC0  }
0xab: {  	_ =	task [dreg:s7], $0x5FFFF  }
0xac: {  	[dreg:$0x1] =	wrdreg $0xFFFFFFFF  }
0xad: {  	[dreg:$0x0] =	wrdreg $0x60  }
0xae: {  	[dreg:$0x2] =	wrdreg s24  }
0xaf: {  	[dreg:$0x3] =	wrdreg s2  }
0xb0: {  	[dreg:$0x4] =	wrdreg $0x9  }
0xb1: {  	_ =	task.clear_ibuf [dreg:s7], $0x5FFFF;
	_ =	strace $0x90000046  }
0xb2: {  	s29 =	simm.s32 $0x9;
	_ =	strace $0x80000048  }
0xb3: {  	_ =	swait.ge [sflag:s29], $0x1  }
0xb4: {  	[sflag:s29] =	ssyncadd.s32 $0xFFFFFFFF  }
0xb5: {  	_ =	strace $0x90000048  }
0xb6: {  	_ =	sfence  }
0xb7: {  	s30 =	sld [smem:$0x0];
	_ =	sdelay $0x2  }
0xb8: {  	s31 =	sshll.u32 s1, $0xD;
	s1 =	sshrl.u32 s1, $0x2  }
0xb9: {  	s3 =	sand.u32 $0x4000, s31;
	s1 =	sadd.s32 s1, s30  }
0xba: {  	s0 =	sor.u32 s3, s0;
	s1 =	sshll.u32 s1, $0x11  }
0xbb: {  	s0 =	sor.u32 s1, s0  }
0xbc: {  	s0 =	sadd.s32 $0x8F2B, s0  }
0xbd: {  	[sflag:s0] =	ssyncadd.remote.s32 $0x1  }
0xbe: {  	_ =	sfence.sel $0xFFFF  }
0xbf: {  	[dreg:$0x0] =	wrdreg $0xFFFFFFFF;
	(pc) =	sbr.abs _section_cstart, $3  }
0xc0: {  	[dreg:$0x1] =	wrdreg $0xFFFFFFFF  }
0xc1: {  	_ =	task.clear_ibuf [dreg:s7], $0x2FFFF;
	_ =	strace $0x9FFFFFFF  }
0xc2: {  	(tm) =	ssettm $0x7FFFFFFF  }
0xc3: {  	_ =	shalt  }
tec
execute0_lowered:
.L_overlay_start_1:
0x0: {  	(tag) =	ssettag $0x1  }
0x1: {  	s0 =	srdreg.scid  }
0x2: {  	s4 =	rddreg [dreg:$0x0];
	s1 =	stileid.u32  }
0x3: {  	s31 =	rddreg [dreg:$0x1];
	s2 =	sand.u32 $0x1, s0;
	s7 =	sshll.u32 s1, $0xC  }
0x4: {  	s3 =	sshll.u32 s2, $0xB;
	s1 =	smov.u32 s2;
	s2 =	simm.s32 $0x0  }
0x5: {  	s30 =	sadd.s32 $0x2A00, s4;
	s0 =	sor.u32 s3, s7;
	[smem:$0x7FF] =	sst s2  }
0x6: {  	s3 =	sshrl.u32 s0, $0x3;
	_ =	strace $0x80000047;
	s5 =	sshll.u32 s0, $0x3  }
0x7: {  	s9 =	sor.u32 $0x80, s0;
	s6 =	sor.u32 $0x100, s0;
	s3 =	sadd.s32 s30, s3  }
0x8: {  	s8 =	sadd.s32 s31, s5;
	s10 =	sshrl.u32 s9, $0x3;
	[dreg:$0x3] =	wrdreg s3  }
0x9: {  	s5 =	sshll.u32 s9, $0x3;
	[dreg:$0x4] =	wrdreg s8;
	s3 =	sadd.s32 s30, s10  }
0xa: {  	s12 =	sshrl.u32 s6, $0x3;
	s11 =	sadd.s32 s31, s5;
	[dreg:$0x5] =	wrdreg s3  }
0xb: {  	s14 =	sshll.u32 s6, $0x3;
	s13 =	sadd.s32 s30, s12;
	[dreg:$0x6] =	wrdreg s11  }
0xc: {  	s16 =	sor.u32 $0x180, s0;
	s15 =	sadd.s32 s31, s14;
	[dreg:$0x7] =	wrdreg s13  }
0xd: {  	s17 =	sshrl.u32 s16, $0x3;
	[dreg:$0x8] =	wrdreg s15  }
0xe: {  	s5 =	sshll.u32 s16, $0x3;
	s3 =	sadd.s32 s30, s17;
	s18 =	rddreg [dreg:$0x3]  }
0xf: {  	s19 =	sadd.s32 s31, s5;
	[dreg:$0x9] =	wrdreg s3  }
0x10: {  	[dreg:$0xa] =	wrdreg s19;
	s3 =	simm.s32 $0x2  }
0x11: {  	[tilespmem:s2], [sflag:$0x2] =	stream.linear.gather [hbm4b:s18+s2], $0x80, $0x38;
	[tilespmem:$0x2080] =	vst v63  }
0x12: {  	_ =	swait.ge [sflag:s3], $0x80  }
0x13: {  	s4 =	sadd.s32 $0x1005C00, s4;
	[sflag:s3] =	ssyncset.done $0x0  }
0x14: {  	s6 =	simm.s32 $0x1;
	s5 =	simm.s32 $0x80;
	[sflag:s3] =	ssyncadd.s32 $0xFFFFFF80  }
0x15: {  	[tilespmem:s5], [sflag:$0x1] =	stream.indirect.gather [hbm4b:s4+s5], $0x40, s2, s5, $0xb8;
	[tilespmem:$0x2080] =	vst v63  }
0x16: {  	_ =	swait.ge [sflag:s6], $0x2000  }
0x17: {  	[sflag:s6] =	ssyncset.done $0x0  }
0x18: {  	s7 =	rddreg [dreg:$0x4];
	[sflag:s6] =	ssyncadd.s32 $0xFFFFE000  }
0x19: {  	[hbm4b:s7+s2] =	stream.linear.scatter [tilespmem:s5], [sflag:$0x2], $0x2000, $0x38;
	[tilespmem:$0x2080] =	vst v63  }
0x1a: {  	_ =	swait.ge [sflag:s3], $0x2000  }
0x1b: {  	[sflag:s3] =	ssyncset.done $0x0  }
0x1c: {  	s20 =	rddreg [dreg:$0x5];
	[sflag:s3] =	ssyncadd.s32 $0xFFFFE000  }
0x1d: {  	[tilespmem:s2], [sflag:$0x2] =	stream.linear.gather [hbm4b:s20+s2], $0x80, $0x38;
	[tilespmem:$0x2080] =	vst v63  }
0x1e: {  	_ =	swait.ge [sflag:s3], $0x80  }
0x1f: {  	[sflag:s3] =	ssyncset.done $0x0  }
0x20: {  	[sflag:s3] =	ssyncadd.s32 $0xFFFFFF80  }
0x21: {  	[tilespmem:s5], [sflag:$0x1] =	stream.indirect.gather [hbm4b:s4+s5], $0x40, s2, s5, $0xb8;
	[tilespmem:$0x2080] =	vst v63  }
0x22: {  	_ =	swait.ge [sflag:s6], $0x2000  }
0x23: {  	[sflag:s6] =	ssyncset.done $0x0  }
0x24: {  	s21 =	rddreg [dreg:$0x6];
	[sflag:s6] =	ssyncadd.s32 $0xFFFFE000  }
0x25: {  	[hbm4b:s21+s2] =	stream.linear.scatter [tilespmem:s5], [sflag:$0x2], $0x2000, $0x38;
	[tilespmem:$0x2080] =	vst v63  }
0x26: {  	_ =	swait.ge [sflag:s3], $0x2000  }
0x27: {  	[sflag:s3] =	ssyncset.done $0x0  }
0x28: {  	s22 =	rddreg [dreg:$0x7];
	[sflag:s3] =	ssyncadd.s32 $0xFFFFE000  }
0x29: {  	[tilespmem:s2], [sflag:$0x2] =	stream.linear.gather [hbm4b:s22+s2], $0x80, $0x38;
	[tilespmem:$0x2080] =	vst v63  }
0x2a: {  	_ =	swait.ge [sflag:s3], $0x80  }
0x2b: {  	[sflag:s3] =	ssyncset.done $0x0  }
0x2c: {  	[sflag:s3] =	ssyncadd.s32 $0xFFFFFF80  }
0x2d: {  	[tilespmem:s5], [sflag:$0x1] =	stream.indirect.gather [hbm4b:s4+s5], $0x40, s2, s5, $0xb8;
	[tilespmem:$0x2080] =	vst v63  }
0x2e: {  	_ =	swait.ge [sflag:s6], $0x2000  }
0x2f: {  	[sflag:s6] =	ssyncset.done $0x0  }
0x30: {  	s23 =	rddreg [dreg:$0x8];
	[sflag:s6] =	ssyncadd.s32 $0xFFFFE000  }
0x31: {  	[hbm4b:s23+s2] =	stream.linear.scatter [tilespmem:s5], [sflag:$0x2], $0x2000, $0x38;
	[tilespmem:$0x2080] =	vst v63  }
0x32: {  	_ =	swait.ge [sflag:s3], $0x2000  }
0x33: {  	[sflag:s3] =	ssyncset.done $0x0  }
0x34: {  	s24 =	rddreg [dreg:$0x9];
	[sflag:s3] =	ssyncadd.s32 $0xFFFFE000  }
0x35: {  	[tilespmem:s2], [sflag:$0x2] =	stream.linear.gather [hbm4b:s24+s2], $0x80, $0x38;
	[tilespmem:$0x2080] =	vst v63  }
0x36: {  	_ =	swait.ge [sflag:s3], $0x80  }
0x37: {  	[sflag:s3] =	ssyncset.done $0x0  }
0x38: {  	[sflag:s3] =	ssyncadd.s32 $0xFFFFFF80  }
0x39: {  	[tilespmem:s5], [sflag:$0x1] =	stream.indirect.gather [hbm4b:s4+s5], $0x40, s2, s5, $0xb8;
	[tilespmem:$0x2080] =	vst v63  }
0x3a: {  	_ =	swait.ge [sflag:s6], $0x2000  }
0x3b: {  	[sflag:s6] =	ssyncset.done $0x0  }
0x3c: {  	s25 =	rddreg [dreg:$0xa];
	[sflag:s6] =	ssyncadd.s32 $0xFFFFE000  }
0x3d: {  	[hbm4b:s25+s2] =	stream.linear.scatter [tilespmem:s5], [sflag:$0x2], $0x2000, $0x38;
	[tilespmem:$0x2080] =	vst v63  }
0x3e: {  	s8 =	sor.u32 $0x200, s0;
	_ =	swait.ge [sflag:s3], $0x2000  }
0x3f: {  	s26 =	sshrl.u32 s8, $0x3;
	[sflag:s3] =	ssyncset.done $0x0  }
0x40: {  	s7 =	sadd.s32 s30, s26;
	[sflag:s3] =	ssyncadd.s32 $0xFFFFE000  }
0x41: {  	[tilespmem:s2], [sflag:$0x2] =	stream.linear.gather [hbm4b:s7+s2], $0x80, $0x38;
	[tilespmem:$0x2080] =	vst v63  }
0x42: {  	_ =	swait.ge [sflag:s3], $0x80  }
0x43: {  	[sflag:s3] =	ssyncset.done $0x0  }
0x44: {  	[sflag:s3] =	ssyncadd.s32 $0xFFFFFF80  }
0x45: {  	[tilespmem:s5], [sflag:$0x1] =	stream.indirect.gather [hbm4b:s4+s5], $0x40, s2, s5, $0xb8;
	[tilespmem:$0x2080] =	vst v63  }
0x46: {  	_ =	swait.ge [sflag:s6], $0x2000  }
0x47: {  	s8 =	sshll.u32 s8, $0x3;
	[sflag:s6] =	ssyncset.done $0x0  }
0x48: {  	s8 =	sadd.s32 s31, s8;
	[sflag:s6] =	ssyncadd.s32 $0xFFFFE000  }
0x49: {  	[hbm4b:s8+s2] =	stream.linear.scatter [tilespmem:s5], [sflag:$0x2], $0x2000, $0x38;
	[tilespmem:$0x2080] =	vst v63  }
0x4a: {  	s10 =	sor.u32 $0x280, s0;
	_ =	swait.ge [sflag:s3], $0x2000  }
0x4b: {  	s9 =	sshrl.u32 s10, $0x3;
	[sflag:s3] =	ssyncset.done $0x0  }
0x4c: {  	s9 =	sadd.s32 s30, s9;
	[sflag:s3] =	ssyncadd.s32 $0xFFFFE000  }
0x4d: {  	[tilespmem:s2], [sflag:$0x2] =	stream.linear.gather [hbm4b:s9+s2], $0x80, $0x38;
	[tilespmem:$0x2080] =	vst v63  }
0x4e: {  	_ =	swait.ge [sflag:s3], $0x80  }
0x4f: {  	[sflag:s3] =	ssyncset.done $0x0  }
0x50: {  	[sflag:s3] =	ssyncadd.s32 $0xFFFFFF80  }
0x51: {  	[tilespmem:s5], [sflag:$0x1] =	stream.indirect.gather [hbm4b:s4+s5], $0x40, s2, s5, $0xb8;
	[tilespmem:$0x2080] =	vst v63  }
0x52: {  	_ =	swait.ge [sflag:s6], $0x2000  }
0x53: {  	s10 =	sshll.u32 s10, $0x3;
	[sflag:s6] =	ssyncset.done $0x0  }
0x54: {  	s10 =	sadd.s32 s31, s10;
	[sflag:s6] =	ssyncadd.s32 $0xFFFFE000  }
0x55: {  	[hbm4b:s10+s2] =	stream.linear.scatter [tilespmem:s5], [sflag:$0x2], $0x2000, $0x38;
	[tilespmem:$0x2080] =	vst v63  }
0x56: {  	s12 =	sor.u32 $0x300, s0;
	_ =	swait.ge [sflag:s3], $0x2000  }
0x57: {  	s11 =	sshrl.u32 s12, $0x3;
	[sflag:s3] =	ssyncset.done $0x0  }
0x58: {  	s11 =	sadd.s32 s30, s11;
	[sflag:s3] =	ssyncadd.s32 $0xFFFFE000  }
0x59: {  	[tilespmem:s2], [sflag:$0x2] =	stream.linear.gather [hbm4b:s11+s2], $0x80, $0x38;
	[tilespmem:$0x2080] =	vst v63  }
0x5a: {  	_ =	swait.ge [sflag:s3], $0x80  }
0x5b: {  	[sflag:s3] =	ssyncset.done $0x0  }
0x5c: {  	[sflag:s3] =	ssyncadd.s32 $0xFFFFFF80  }
0x5d: {  	[tilespmem:s5], [sflag:$0x1] =	stream.indirect.gather [hbm4b:s4+s5], $0x40, s2, s5, $0xb8;
	[tilespmem:$0x2080] =	vst v63  }
0x5e: {  	_ =	swait.ge [sflag:s6], $0x2000  }
0x5f: {  	s12 =	sshll.u32 s12, $0x3;
	[sflag:s6] =	ssyncset.done $0x0  }
0x60: {  	s12 =	sadd.s32 s31, s12;
	[sflag:s6] =	ssyncadd.s32 $0xFFFFE000  }
0x61: {  	[hbm4b:s12+s2] =	stream.linear.scatter [tilespmem:s5], [sflag:$0x2], $0x2000, $0x38;
	[tilespmem:$0x2080] =	vst v63  }
0x62: {  	s14 =	sor.u32 $0x380, s0;
	_ =	swait.ge [sflag:s3], $0x2000  }
0x63: {  	s13 =	sshrl.u32 s14, $0x3;
	[sflag:s3] =	ssyncset.done $0x0  }
0x64: {  	s13 =	sadd.s32 s30, s13;
	[sflag:s3] =	ssyncadd.s32 $0xFFFFE000  }
0x65: {  	[tilespmem:s2], [sflag:$0x2] =	stream.linear.gather [hbm4b:s13+s2], $0x80, $0x38;
	[tilespmem:$0x2080] =	vst v63  }
0x66: {  	_ =	swait.ge [sflag:s3], $0x80  }
0x67: {  	[sflag:s3] =	ssyncset.done $0x0  }
0x68: {  	[sflag:s3] =	ssyncadd.s32 $0xFFFFFF80  }
0x69: {  	[tilespmem:s5], [sflag:$0x1] =	stream.indirect.gather [hbm4b:s4+s5], $0x40, s2, s5, $0xb8;
	[tilespmem:$0x2080] =	vst v63  }
0x6a: {  	_ =	swait.ge [sflag:s6], $0x2000  }
0x6b: {  	s14 =	sshll.u32 s14, $0x3;
	[sflag:s6] =	ssyncset.done $0x0  }
0x6c: {  	s14 =	sadd.s32 s31, s14;
	[sflag:s6] =	ssyncadd.s32 $0xFFFFE000  }
0x6d: {  	[hbm4b:s14+s2] =	stream.linear.scatter [tilespmem:s5], [sflag:$0x2], $0x2000, $0x38;
	[tilespmem:$0x2080] =	vst v63  }
0x6e: {  	s16 =	sor.u32 $0x400, s0;
	_ =	swait.ge [sflag:s3], $0x2000  }
0x6f: {  	s15 =	sshrl.u32 s16, $0x3;
	[sflag:s3] =	ssyncset.done $0x0  }
0x70: {  	s15 =	sadd.s32 s30, s15;
	[sflag:s3] =	ssyncadd.s32 $0xFFFFE000  }
0x71: {  	[tilespmem:s2], [sflag:$0x2] =	stream.linear.gather [hbm4b:s15+s2], $0x80, $0x38;
	[tilespmem:$0x2080] =	vst v63  }
0x72: {  	_ =	swait.ge [sflag:s3], $0x80  }
0x73: {  	[sflag:s3] =	ssyncset.done $0x0  }
0x74: {  	[sflag:s3] =	ssyncadd.s32 $0xFFFFFF80  }
0x75: {  	[tilespmem:s5], [sflag:$0x1] =	stream.indirect.gather [hbm4b:s4+s5], $0x40, s2, s5, $0xb8;
	[tilespmem:$0x2080] =	vst v63  }
0x76: {  	_ =	swait.ge [sflag:s6], $0x2000  }
0x77: {  	s16 =	sshll.u32 s16, $0x3;
	[sflag:s6] =	ssyncset.done $0x0  }
0x78: {  	s16 =	sadd.s32 s31, s16;
	[sflag:s6] =	ssyncadd.s32 $0xFFFFE000  }
0x79: {  	[hbm4b:s16+s2] =	stream.linear.scatter [tilespmem:s5], [sflag:$0x2], $0x2000, $0x38;
	[tilespmem:$0x2080] =	vst v63  }
0x7a: {  	s18 =	sor.u32 $0x480, s0;
	_ =	swait.ge [sflag:s3], $0x2000  }
0x7b: {  	s17 =	sshrl.u32 s18, $0x3;
	[sflag:s3] =	ssyncset.done $0x0  }
0x7c: {  	s17 =	sadd.s32 s30, s17;
	[sflag:s3] =	ssyncadd.s32 $0xFFFFE000  }
0x7d: {  	[tilespmem:s2], [sflag:$0x2] =	stream.linear.gather [hbm4b:s17+s2], $0x80, $0x38;
	[tilespmem:$0x2080] =	vst v63  }
0x7e: {  	_ =	swait.ge [sflag:s3], $0x80  }
0x7f: {  	[sflag:s3] =	ssyncset.done $0x0  }
0x80: {  	[sflag:s3] =	ssyncadd.s32 $0xFFFFFF80  }
0x81: {  	[tilespmem:s5], [sflag:$0x1] =	stream.indirect.gather [hbm4b:s4+s5], $0x40, s2, s5, $0xb8;
	[tilespmem:$0x2080] =	vst v63  }
0x82: {  	_ =	swait.ge [sflag:s6], $0x2000  }
0x83: {  	s18 =	sshll.u32 s18, $0x3;
	[sflag:s6] =	ssyncset.done $0x0  }
0x84: {  	s18 =	sadd.s32 s31, s18;
	[sflag:s6] =	ssyncadd.s32 $0xFFFFE000  }
0x85: {  	[hbm4b:s18+s2] =	stream.linear.scatter [tilespmem:s5], [sflag:$0x2], $0x2000, $0x38;
	[tilespmem:$0x2080] =	vst v63  }
0x86: {  	s20 =	sor.u32 $0x500, s0;
	_ =	swait.ge [sflag:s3], $0x2000  }
0x87: {  	s19 =	sshrl.u32 s20, $0x3;
	[sflag:s3] =	ssyncset.done $0x0  }
0x88: {  	s19 =	sadd.s32 s30, s19;
	[sflag:s3] =	ssyncadd.s32 $0xFFFFE000  }
0x89: {  	[tilespmem:s2], [sflag:$0x2] =	stream.linear.gather [hbm4b:s19+s2], $0x80, $0x38;
	[tilespmem:$0x2080] =	vst v63  }
0x8a: {  	_ =	swait.ge [sflag:s3], $0x80  }
0x8b: {  	[sflag:s3] =	ssyncset.done $0x0  }
0x8c: {  	[sflag:s3] =	ssyncadd.s32 $0xFFFFFF80  }
0x8d: {  	[tilespmem:s5], [sflag:$0x1] =	stream.indirect.gather [hbm4b:s4+s5], $0x40, s2, s5, $0xb8;
	[tilespmem:$0x2080] =	vst v63  }
0x8e: {  	_ =	swait.ge [sflag:s6], $0x2000  }
0x8f: {  	s20 =	sshll.u32 s20, $0x3;
	[sflag:s6] =	ssyncset.done $0x0  }
0x90: {  	s20 =	sadd.s32 s31, s20;
	[sflag:s6] =	ssyncadd.s32 $0xFFFFE000  }
0x91: {  	[hbm4b:s20+s2] =	stream.linear.scatter [tilespmem:s5], [sflag:$0x2], $0x2000, $0x38;
	[tilespmem:$0x2080] =	vst v63  }
0x92: {  	s22 =	sor.u32 $0x580, s0;
	_ =	swait.ge [sflag:s3], $0x2000  }
0x93: {  	s21 =	sshrl.u32 s22, $0x3;
	[sflag:s3] =	ssyncset.done $0x0  }
0x94: {  	s21 =	sadd.s32 s30, s21;
	[sflag:s3] =	ssyncadd.s32 $0xFFFFE000  }
0x95: {  	[tilespmem:s2], [sflag:$0x2] =	stream.linear.gather [hbm4b:s21+s2], $0x80, $0x38;
	[tilespmem:$0x2080] =	vst v63  }
0x96: {  	_ =	swait.ge [sflag:s3], $0x80  }
0x97: {  	[sflag:s3] =	ssyncset.done $0x0  }
0x98: {  	[sflag:s3] =	ssyncadd.s32 $0xFFFFFF80  }
0x99: {  	[tilespmem:s5], [sflag:$0x1] =	stream.indirect.gather [hbm4b:s4+s5], $0x40, s2, s5, $0xb8;
	[tilespmem:$0x2080] =	vst v63  }
0x9a: {  	_ =	swait.ge [sflag:s6], $0x2000  }
0x9b: {  	s22 =	sshll.u32 s22, $0x3;
	[sflag:s6] =	ssyncset.done $0x0  }
0x9c: {  	s22 =	sadd.s32 s31, s22;
	[sflag:s6] =	ssyncadd.s32 $0xFFFFE000  }
0x9d: {  	[hbm4b:s22+s2] =	stream.linear.scatter [tilespmem:s5], [sflag:$0x2], $0x2000, $0x38;
	[tilespmem:$0x2080] =	vst v63  }
0x9e: {  	s24 =	sor.u32 $0x600, s0;
	_ =	swait.ge [sflag:s3], $0x2000  }
0x9f: {  	s23 =	sshrl.u32 s24, $0x3;
	[sflag:s3] =	ssyncset.done $0x0  }
0xa0: {  	s23 =	sadd.s32 s30, s23;
	[sflag:s3] =	ssyncadd.s32 $0xFFFFE000  }
0xa1: {  	[tilespmem:s2], [sflag:$0x2] =	stream.linear.gather [hbm4b:s23+s2], $0x80, $0x38;
	[tilespmem:$0x2080] =	vst v63  }
0xa2: {  	_ =	swait.ge [sflag:s3], $0x80  }
0xa3: {  	[sflag:s3] =	ssyncset.done $0x0  }
0xa4: {  	[sflag:s3] =	ssyncadd.s32 $0xFFFFFF80  }
0xa5: {  	[tilespmem:s5], [sflag:$0x1] =	stream.indirect.gather [hbm4b:s4+s5], $0x40, s2, s5, $0xb8;
	[tilespmem:$0x2080] =	vst v63  }
0xa6: {  	_ =	swait.ge [sflag:s6], $0x2000  }
0xa7: {  	s24 =	sshll.u32 s24, $0x3;
	[sflag:s6] =	ssyncset.done $0x0  }
0xa8: {  	s24 =	sadd.s32 s31, s24;
	[sflag:s6] =	ssyncadd.s32 $0xFFFFE000  }
0xa9: {  	[hbm4b:s24+s2] =	stream.linear.scatter [tilespmem:s5], [sflag:$0x2], $0x2000, $0x38;
	[tilespmem:$0x2080] =	vst v63  }
0xaa: {  	s26 =	sor.u32 $0x680, s0;
	_ =	swait.ge [sflag:s3], $0x2000  }
0xab: {  	s25 =	sshrl.u32 s26, $0x3;
	[sflag:s3] =	ssyncset.done $0x0  }
0xac: {  	s25 =	sadd.s32 s30, s25;
	[sflag:s3] =	ssyncadd.s32 $0xFFFFE000  }
0xad: {  	[tilespmem:s2], [sflag:$0x2] =	stream.linear.gather [hbm4b:s25+s2], $0x80, $0x38;
	[tilespmem:$0x2080] =	vst v63  }
0xae: {  	_ =	swait.ge [sflag:s3], $0x80  }
0xaf: {  	[sflag:s3] =	ssyncset.done $0x0  }
0xb0: {  	[sflag:s3] =	ssyncadd.s32 $0xFFFFFF80  }
0xb1: {  	[tilespmem:s5], [sflag:$0x1] =	stream.indirect.gather [hbm4b:s4+s5], $0x40, s2, s5, $0xb8;
	[tilespmem:$0x2080] =	vst v63  }
0xb2: {  	_ =	swait.ge [sflag:s6], $0x2000  }
0xb3: {  	s26 =	sshll.u32 s26, $0x3;
	[sflag:s6] =	ssyncset.done $0x0  }
0xb4: {  	s26 =	sadd.s32 s31, s26;
	[sflag:s6] =	ssyncadd.s32 $0xFFFFE000  }
0xb5: {  	[hbm4b:s26+s2] =	stream.linear.scatter [tilespmem:s5], [sflag:$0x2], $0x2000, $0x38;
	[tilespmem:$0x2080] =	vst v63  }
0xb6: {  	s29 =	sor.u32 $0x700, s0;
	_ =	swait.ge [sflag:s3], $0x2000  }
0xb7: {  	s28 =	sshrl.u32 s29, $0x3;
	[sflag:s3] =	ssyncset.done $0x0  }
0xb8: {  	s28 =	sadd.s32 s30, s28;
	[sflag:s3] =	ssyncadd.s32 $0xFFFFE000  }
0xb9: {  	[tilespmem:s2], [sflag:$0x2] =	stream.linear.gather [hbm4b:s28+s2], $0x80, $0x38;
	[tilespmem:$0x2080] =	vst v63  }
0xba: {  	_ =	swait.ge [sflag:s3], $0x80  }
0xbb: {  	[sflag:s3] =	ssyncset.done $0x0  }
0xbc: {  	[sflag:s3] =	ssyncadd.s32 $0xFFFFFF80  }
0xbd: {  	[tilespmem:s5], [sflag:$0x1] =	stream.indirect.gather [hbm4b:s4+s5], $0x40, s2, s5, $0xb8;
	[tilespmem:$0x2080] =	vst v63  }
0xbe: {  	_ =	swait.ge [sflag:s6], $0x2000  }
0xbf: {  	s29 =	sshll.u32 s29, $0x3;
	[sflag:s6] =	ssyncset.done $0x0  }
0xc0: {  	s29 =	sadd.s32 s31, s29;
	[sflag:s6] =	ssyncadd.s32 $0xFFFFE000  }
0xc1: {  	[hbm4b:s29+s2] =	stream.linear.scatter [tilespmem:s5], [sflag:$0x2], $0x2000, $0x38;
	[tilespmem:$0x2080] =	vst v63  }
0xc2: {  	s0 =	sor.u32 $0x780, s0;
	_ =	swait.ge [sflag:s3], $0x2000  }
0xc3: {  	s31 =	sshrl.u32 s0, $0x3;
	[sflag:s3] =	ssyncset.done $0x0  }
0xc4: {  	s30 =	sadd.s32 s30, s31;
	s31 =	ssub.s32 $0x2, s1;
	[sflag:s3] =	ssyncadd.s32 $0xFFFFE000  }
0xc5: {  	[tilespmem:s2], [sflag:$0x2] =	stream.linear.gather [hbm4b:s30+s2], $0x80, $0x38;
	[tilespmem:$0x2080] =	vst v63  }
0xc6: {  	s1 =	sshrl.u32 s31, $0x1;
	_ =	swait.ge [sflag:s3], $0x80  }
0xc7: {  	s1 =	ssub.s32 s31, s1;
	[sflag:s3] =	ssyncset.done $0x0  }
0xc8: {  	s1 =	smax.u32 s1, $0x1;
	[sflag:s3] =	ssyncadd.s32 $0xFFFFFF80  }
0xc9: {  	[tilespmem:s5], [sflag:$0x1] =	stream.indirect.gather [hbm4b:s4+s5], $0x40, s2, s5, $0xb8;
	[tilespmem:$0x2080] =	vst v63  }
0xca: {  	p0 =	sne.s32 s1, $0x1;
	_ =	swait.ge [sflag:s6], $0x2000  }
.Ltmp0:
0xcb: {  	[sflag:s6] =	ssyncset.done $0x0;
	(pc) =	sbr.rel @!p0 .LBB2_2-.Ltmp0, $4  }
0xcc: {  	s0 =	sshll.u32 s0, $0x3;
	s31 =	rddreg [dreg:$0x1]  }
0xcd: {  	[sflag:s6] =	ssyncadd.s32 $0xFFFFE000;
	s31 =	sadd.s32 s31, s0  }
0xce: {  	[hbm4b:s31+s2] =	stream.linear.scatter [tilespmem:s5], [sflag:$0x2], $0x2000, $0x38;
	[tilespmem:$0x2080] =	vst v63  }
0xcf: {  	s1 =	sadd.s32 $0xFFFFFFFF, s1;
	_ =	swait.ge [sflag:s3], $0x2000  }
.LBB2_1:
0xd0: {  	[sflag:s3] =	ssyncset.done $0x0  }
0xd1: {  	s0 =	rddreg [dreg:$0x3];
	[sflag:s3] =	ssyncadd.s32 $0xFFFFE000  }
0xd2: {  	[tilespmem:s2], [sflag:$0x2] =	stream.linear.gather [hbm4b:s0+s2], $0x80, $0x38;
	[tilespmem:$0x2080] =	vst v63  }
0xd3: {  	_ =	swait.ge [sflag:s3], $0x80  }
0xd4: {  	[sflag:s3] =	ssyncset.done $0x0  }
0xd5: {  	[sflag:s3] =	ssyncadd.s32 $0xFFFFFF80  }
0xd6: {  	[tilespmem:s5], [sflag:$0x1] =	stream.indirect.gather [hbm4b:s4+s5], $0x40, s2, s5, $0xb8;
	[tilespmem:$0x2080] =	vst v63  }
0xd7: {  	_ =	swait.ge [sflag:s6], $0x2000  }
0xd8: {  	[sflag:s6] =	ssyncset.done $0x0  }
0xd9: {  	s0 =	rddreg [dreg:$0x4];
	[sflag:s6] =	ssyncadd.s32 $0xFFFFE000  }
0xda: {  	[hbm4b:s0+s2] =	stream.linear.scatter [tilespmem:s5], [sflag:$0x2], $0x2000, $0x38;
	[tilespmem:$0x2080] =	vst v63  }
0xdb: {  	_ =	swait.ge [sflag:s3], $0x2000  }
0xdc: {  	[sflag:s3] =	ssyncset.done $0x0  }
0xdd: {  	s0 =	rddreg [dreg:$0x5];
	[sflag:s3] =	ssyncadd.s32 $0xFFFFE000  }
0xde: {  	[tilespmem:s2], [sflag:$0x2] =	stream.linear.gather [hbm4b:s0+s2], $0x80, $0x38;
	[tilespmem:$0x2080] =	vst v63  }
0xdf: {  	_ =	swait.ge [sflag:s3], $0x80  }
0xe0: {  	[sflag:s3] =	ssyncset.done $0x0  }
0xe1: {  	[sflag:s3] =	ssyncadd.s32 $0xFFFFFF80  }
0xe2: {  	[tilespmem:s5], [sflag:$0x1] =	stream.indirect.gather [hbm4b:s4+s5], $0x40, s2, s5, $0xb8;
	[tilespmem:$0x2080] =	vst v63  }
0xe3: {  	_ =	swait.ge [sflag:s6], $0x2000  }
0xe4: {  	[sflag:s6] =	ssyncset.done $0x0  }
0xe5: {  	s0 =	rddreg [dreg:$0x6];
	[sflag:s6] =	ssyncadd.s32 $0xFFFFE000  }
0xe6: {  	[hbm4b:s0+s2] =	stream.linear.scatter [tilespmem:s5], [sflag:$0x2], $0x2000, $0x38;
	[tilespmem:$0x2080] =	vst v63  }
0xe7: {  	_ =	swait.ge [sflag:s3], $0x2000  }
0xe8: {  	[sflag:s3] =	ssyncset.done $0x0  }
0xe9: {  	s0 =	rddreg [dreg:$0x7];
	[sflag:s3] =	ssyncadd.s32 $0xFFFFE000  }
0xea: {  	[tilespmem:s2], [sflag:$0x2] =	stream.linear.gather [hbm4b:s0+s2], $0x80, $0x38;
	[tilespmem:$0x2080] =	vst v63  }
0xeb: {  	_ =	swait.ge [sflag:s3], $0x80  }
0xec: {  	[sflag:s3] =	ssyncset.done $0x0  }
0xed: {  	[sflag:s3] =	ssyncadd.s32 $0xFFFFFF80  }
0xee: {  	[tilespmem:s5], [sflag:$0x1] =	stream.indirect.gather [hbm4b:s4+s5], $0x40, s2, s5, $0xb8;
	[tilespmem:$0x2080] =	vst v63  }
0xef: {  	_ =	swait.ge [sflag:s6], $0x2000  }
0xf0: {  	[sflag:s6] =	ssyncset.done $0x0  }
0xf1: {  	s0 =	rddreg [dreg:$0x8];
	[sflag:s6] =	ssyncadd.s32 $0xFFFFE000  }
0xf2: {  	[hbm4b:s0+s2] =	stream.linear.scatter [tilespmem:s5], [sflag:$0x2], $0x2000, $0x38;
	[tilespmem:$0x2080] =	vst v63  }
0xf3: {  	_ =	swait.ge [sflag:s3], $0x2000  }
0xf4: {  	[sflag:s3] =	ssyncset.done $0x0  }
0xf5: {  	s0 =	rddreg [dreg:$0x9];
	[sflag:s3] =	ssyncadd.s32 $0xFFFFE000  }
0xf6: {  	[tilespmem:s2], [sflag:$0x2] =	stream.linear.gather [hbm4b:s0+s2], $0x80, $0x38;
	[tilespmem:$0x2080] =	vst v63  }
0xf7: {  	_ =	swait.ge [sflag:s3], $0x80  }
0xf8: {  	[sflag:s3] =	ssyncset.done $0x0  }
0xf9: {  	[sflag:s3] =	ssyncadd.s32 $0xFFFFFF80  }
0xfa: {  	[tilespmem:s5], [sflag:$0x1] =	stream.indirect.gather [hbm4b:s4+s5], $0x40, s2, s5, $0xb8;
	[tilespmem:$0x2080] =	vst v63  }
0xfb: {  	_ =	swait.ge [sflag:s6], $0x2000  }
0xfc: {  	[sflag:s6] =	ssyncset.done $0x0  }
0xfd: {  	s0 =	rddreg [dreg:$0xa];
	[sflag:s6] =	ssyncadd.s32 $0xFFFFE000  }
0xfe: {  	[hbm4b:s0+s2] =	stream.linear.scatter [tilespmem:s5], [sflag:$0x2], $0x2000, $0x38;
	[tilespmem:$0x2080] =	vst v63  }
0xff: {  	_ =	swait.ge [sflag:s3], $0x2000  }
0x100: {  	[sflag:s3] =	ssyncset.done $0x0  }
0x101: {  	[sflag:s3] =	ssyncadd.s32 $0xFFFFE000  }
0x102: {  	[tilespmem:s2], [sflag:$0x2] =	stream.linear.gather [hbm4b:s7+s2], $0x80, $0x38;
	[tilespmem:$0x2080] =	vst v63  }
0x103: {  	_ =	swait.ge [sflag:s3], $0x80  }
0x104: {  	[sflag:s3] =	ssyncset.done $0x0  }
0x105: {  	[sflag:s3] =	ssyncadd.s32 $0xFFFFFF80  }
0x106: {  	[tilespmem:s5], [sflag:$0x1] =	stream.indirect.gather [hbm4b:s4+s5], $0x40, s2, s5, $0xb8;
	[tilespmem:$0x2080] =	vst v63  }
0x107: {  	_ =	swait.ge [sflag:s6], $0x2000  }
0x108: {  	[sflag:s6] =	ssyncset.done $0x0  }
0x109: {  	[sflag:s6] =	ssyncadd.s32 $0xFFFFE000  }
0x10a: {  	[hbm4b:s8+s2] =	stream.linear.scatter [tilespmem:s5], [sflag:$0x2], $0x2000, $0x38;
	[tilespmem:$0x2080] =	vst v63  }
0x10b: {  	_ =	swait.ge [sflag:s3], $0x2000  }
0x10c: {  	[sflag:s3] =	ssyncset.done $0x0  }
0x10d: {  	[sflag:s3] =	ssyncadd.s32 $0xFFFFE000  }
0x10e: {  	[tilespmem:s2], [sflag:$0x2] =	stream.linear.gather [hbm4b:s9+s2], $0x80, $0x38;
	[tilespmem:$0x2080] =	vst v63  }
0x10f: {  	_ =	swait.ge [sflag:s3], $0x80  }
0x110: {  	[sflag:s3] =	ssyncset.done $0x0  }
0x111: {  	[sflag:s3] =	ssyncadd.s32 $0xFFFFFF80  }
0x112: {  	[tilespmem:s5], [sflag:$0x1] =	stream.indirect.gather [hbm4b:s4+s5], $0x40, s2, s5, $0xb8;
	[tilespmem:$0x2080] =	vst v63  }
0x113: {  	_ =	swait.ge [sflag:s6], $0x2000  }
0x114: {  	[sflag:s6] =	ssyncset.done $0x0  }
0x115: {  	[sflag:s6] =	ssyncadd.s32 $0xFFFFE000  }
0x116: {  	[hbm4b:s10+s2] =	stream.linear.scatter [tilespmem:s5], [sflag:$0x2], $0x2000, $0x38;
	[tilespmem:$0x2080] =	vst v63  }
0x117: {  	_ =	swait.ge [sflag:s3], $0x2000  }
0x118: {  	[sflag:s3] =	ssyncset.done $0x0  }
0x119: {  	[sflag:s3] =	ssyncadd.s32 $0xFFFFE000  }
0x11a: {  	[tilespmem:s2], [sflag:$0x2] =	stream.linear.gather [hbm4b:s11+s2], $0x80, $0x38;
	[tilespmem:$0x2080] =	vst v63  }
0x11b: {  	_ =	swait.ge [sflag:s3], $0x80  }
0x11c: {  	[sflag:s3] =	ssyncset.done $0x0  }
0x11d: {  	[sflag:s3] =	ssyncadd.s32 $0xFFFFFF80  }
0x11e: {  	[tilespmem:s5], [sflag:$0x1] =	stream.indirect.gather [hbm4b:s4+s5], $0x40, s2, s5, $0xb8;
	[tilespmem:$0x2080] =	vst v63  }
0x11f: {  	_ =	swait.ge [sflag:s6], $0x2000  }
0x120: {  	[sflag:s6] =	ssyncset.done $0x0  }
0x121: {  	[sflag:s6] =	ssyncadd.s32 $0xFFFFE000  }
0x122: {  	[hbm4b:s12+s2] =	stream.linear.scatter [tilespmem:s5], [sflag:$0x2], $0x2000, $0x38;
	[tilespmem:$0x2080] =	vst v63  }
0x123: {  	_ =	swait.ge [sflag:s3], $0x2000  }
0x124: {  	[sflag:s3] =	ssyncset.done $0x0  }
0x125: {  	[sflag:s3] =	ssyncadd.s32 $0xFFFFE000  }
0x126: {  	[tilespmem:s2], [sflag:$0x2] =	stream.linear.gather [hbm4b:s13+s2], $0x80, $0x38;
	[tilespmem:$0x2080] =	vst v63  }
0x127: {  	_ =	swait.ge [sflag:s3], $0x80  }
0x128: {  	[sflag:s3] =	ssyncset.done $0x0  }
0x129: {  	[sflag:s3] =	ssyncadd.s32 $0xFFFFFF80  }
0x12a: {  	[tilespmem:s5], [sflag:$0x1] =	stream.indirect.gather [hbm4b:s4+s5], $0x40, s2, s5, $0xb8;
	[tilespmem:$0x2080] =	vst v63  }
0x12b: {  	_ =	swait.ge [sflag:s6], $0x2000  }
0x12c: {  	[sflag:s6] =	ssyncset.done $0x0  }
0x12d: {  	[sflag:s6] =	ssyncadd.s32 $0xFFFFE000  }
0x12e: {  	[hbm4b:s14+s2] =	stream.linear.scatter [tilespmem:s5], [sflag:$0x2], $0x2000, $0x38;
	[tilespmem:$0x2080] =	vst v63  }
0x12f: {  	_ =	swait.ge [sflag:s3], $0x2000  }
0x130: {  	[sflag:s3] =	ssyncset.done $0x0  }
0x131: {  	[sflag:s3] =	ssyncadd.s32 $0xFFFFE000  }
0x132: {  	[tilespmem:s2], [sflag:$0x2] =	stream.linear.gather [hbm4b:s15+s2], $0x80, $0x38;
	[tilespmem:$0x2080] =	vst v63  }
0x133: {  	_ =	swait.ge [sflag:s3], $0x80  }
0x134: {  	[sflag:s3] =	ssyncset.done $0x0  }
0x135: {  	[sflag:s3] =	ssyncadd.s32 $0xFFFFFF80  }
0x136: {  	[tilespmem:s5], [sflag:$0x1] =	stream.indirect.gather [hbm4b:s4+s5], $0x40, s2, s5, $0xb8;
	[tilespmem:$0x2080] =	vst v63  }
0x137: {  	_ =	swait.ge [sflag:s6], $0x2000  }
0x138: {  	[sflag:s6] =	ssyncset.done $0x0  }
0x139: {  	[sflag:s6] =	ssyncadd.s32 $0xFFFFE000  }
0x13a: {  	[hbm4b:s16+s2] =	stream.linear.scatter [tilespmem:s5], [sflag:$0x2], $0x2000, $0x38;
	[tilespmem:$0x2080] =	vst v63  }
0x13b: {  	_ =	swait.ge [sflag:s3], $0x2000  }
0x13c: {  	[sflag:s3] =	ssyncset.done $0x0  }
0x13d: {  	[sflag:s3] =	ssyncadd.s32 $0xFFFFE000  }
0x13e: {  	[tilespmem:s2], [sflag:$0x2] =	stream.linear.gather [hbm4b:s17+s2], $0x80, $0x38;
	[tilespmem:$0x2080] =	vst v63  }
0x13f: {  	_ =	swait.ge [sflag:s3], $0x80  }
0x140: {  	[sflag:s3] =	ssyncset.done $0x0  }
0x141: {  	[sflag:s3] =	ssyncadd.s32 $0xFFFFFF80  }
0x142: {  	[tilespmem:s5], [sflag:$0x1] =	stream.indirect.gather [hbm4b:s4+s5], $0x40, s2, s5, $0xb8;
	[tilespmem:$0x2080] =	vst v63  }
0x143: {  	_ =	swait.ge [sflag:s6], $0x2000  }
0x144: {  	[sflag:s6] =	ssyncset.done $0x0  }
0x145: {  	[sflag:s6] =	ssyncadd.s32 $0xFFFFE000  }
0x146: {  	[hbm4b:s18+s2] =	stream.linear.scatter [tilespmem:s5], [sflag:$0x2], $0x2000, $0x38;
	[tilespmem:$0x2080] =	vst v63  }
0x147: {  	_ =	swait.ge [sflag:s3], $0x2000  }
0x148: {  	[sflag:s3] =	ssyncset.done $0x0  }
0x149: {  	[sflag:s3] =	ssyncadd.s32 $0xFFFFE000  }
0x14a: {  	[tilespmem:s2], [sflag:$0x2] =	stream.linear.gather [hbm4b:s19+s2], $0x80, $0x38;
	[tilespmem:$0x2080] =	vst v63  }
0x14b: {  	_ =	swait.ge [sflag:s3], $0x80  }
0x14c: {  	[sflag:s3] =	ssyncset.done $0x0  }
0x14d: {  	[sflag:s3] =	ssyncadd.s32 $0xFFFFFF80  }
0x14e: {  	[tilespmem:s5], [sflag:$0x1] =	stream.indirect.gather [hbm4b:s4+s5], $0x40, s2, s5, $0xb8;
	[tilespmem:$0x2080] =	vst v63  }
0x14f: {  	_ =	swait.ge [sflag:s6], $0x2000  }
0x150: {  	[sflag:s6] =	ssyncset.done $0x0  }
0x151: {  	[sflag:s6] =	ssyncadd.s32 $0xFFFFE000  }
0x152: {  	[hbm4b:s20+s2] =	stream.linear.scatter [tilespmem:s5], [sflag:$0x2], $0x2000, $0x38;
	[tilespmem:$0x2080] =	vst v63  }
0x153: {  	_ =	swait.ge [sflag:s3], $0x2000  }
0x154: {  	[sflag:s3] =	ssyncset.done $0x0  }
0x155: {  	[sflag:s3] =	ssyncadd.s32 $0xFFFFE000  }
0x156: {  	[tilespmem:s2], [sflag:$0x2] =	stream.linear.gather [hbm4b:s21+s2], $0x80, $0x38;
	[tilespmem:$0x2080] =	vst v63  }
0x157: {  	_ =	swait.ge [sflag:s3], $0x80  }
0x158: {  	[sflag:s3] =	ssyncset.done $0x0  }
0x159: {  	[sflag:s3] =	ssyncadd.s32 $0xFFFFFF80  }
0x15a: {  	[tilespmem:s5], [sflag:$0x1] =	stream.indirect.gather [hbm4b:s4+s5], $0x40, s2, s5, $0xb8;
	[tilespmem:$0x2080] =	vst v63  }
0x15b: {  	_ =	swait.ge [sflag:s6], $0x2000  }
0x15c: {  	[sflag:s6] =	ssyncset.done $0x0  }
0x15d: {  	[sflag:s6] =	ssyncadd.s32 $0xFFFFE000  }
0x15e: {  	[hbm4b:s22+s2] =	stream.linear.scatter [tilespmem:s5], [sflag:$0x2], $0x2000, $0x38;
	[tilespmem:$0x2080] =	vst v63  }
0x15f: {  	_ =	swait.ge [sflag:s3], $0x2000  }
0x160: {  	[sflag:s3] =	ssyncset.done $0x0  }
0x161: {  	[sflag:s3] =	ssyncadd.s32 $0xFFFFE000  }
0x162: {  	[tilespmem:s2], [sflag:$0x2] =	stream.linear.gather [hbm4b:s23+s2], $0x80, $0x38;
	[tilespmem:$0x2080] =	vst v63  }
0x163: {  	_ =	swait.ge [sflag:s3], $0x80  }
0x164: {  	[sflag:s3] =	ssyncset.done $0x0  }
0x165: {  	[sflag:s3] =	ssyncadd.s32 $0xFFFFFF80  }
0x166: {  	[tilespmem:s5], [sflag:$0x1] =	stream.indirect.gather [hbm4b:s4+s5], $0x40, s2, s5, $0xb8;
	[tilespmem:$0x2080] =	vst v63  }
0x167: {  	_ =	swait.ge [sflag:s6], $0x2000  }
0x168: {  	[sflag:s6] =	ssyncset.done $0x0  }
0x169: {  	[sflag:s6] =	ssyncadd.s32 $0xFFFFE000  }
0x16a: {  	[hbm4b:s24+s2] =	stream.linear.scatter [tilespmem:s5], [sflag:$0x2], $0x2000, $0x38;
	[tilespmem:$0x2080] =	vst v63  }
0x16b: {  	_ =	swait.ge [sflag:s3], $0x2000  }
0x16c: {  	[sflag:s3] =	ssyncset.done $0x0  }
0x16d: {  	[sflag:s3] =	ssyncadd.s32 $0xFFFFE000  }
0x16e: {  	[tilespmem:s2], [sflag:$0x2] =	stream.linear.gather [hbm4b:s25+s2], $0x80, $0x38;
	[tilespmem:$0x2080] =	vst v63  }
0x16f: {  	_ =	swait.ge [sflag:s3], $0x80  }
0x170: {  	[sflag:s3] =	ssyncset.done $0x0  }
0x171: {  	[sflag:s3] =	ssyncadd.s32 $0xFFFFFF80  }
0x172: {  	[tilespmem:s5], [sflag:$0x1] =	stream.indirect.gather [hbm4b:s4+s5], $0x40, s2, s5, $0xb8;
	[tilespmem:$0x2080] =	vst v63  }
0x173: {  	_ =	swait.ge [sflag:s6], $0x2000  }
0x174: {  	[sflag:s6] =	ssyncset.done $0x0  }
0x175: {  	[sflag:s6] =	ssyncadd.s32 $0xFFFFE000  }
0x176: {  	[hbm4b:s26+s2] =	stream.linear.scatter [tilespmem:s5], [sflag:$0x2], $0x2000, $0x38;
	[tilespmem:$0x2080] =	vst v63  }
0x177: {  	_ =	swait.ge [sflag:s3], $0x2000  }
0x178: {  	[sflag:s3] =	ssyncset.done $0x0  }
0x179: {  	[sflag:s3] =	ssyncadd.s32 $0xFFFFE000  }
0x17a: {  	[tilespmem:s2], [sflag:$0x2] =	stream.linear.gather [hbm4b:s28+s2], $0x80, $0x38;
	[tilespmem:$0x2080] =	vst v63  }
0x17b: {  	_ =	swait.ge [sflag:s3], $0x80  }
0x17c: {  	[sflag:s3] =	ssyncset.done $0x0  }
0x17d: {  	[sflag:s3] =	ssyncadd.s32 $0xFFFFFF80  }
0x17e: {  	[tilespmem:s5], [sflag:$0x1] =	stream.indirect.gather [hbm4b:s4+s5], $0x40, s2, s5, $0xb8;
	[tilespmem:$0x2080] =	vst v63  }
0x17f: {  	_ =	swait.ge [sflag:s6], $0x2000  }
0x180: {  	[sflag:s6] =	ssyncset.done $0x0  }
0x181: {  	[sflag:s6] =	ssyncadd.s32 $0xFFFFE000  }
0x182: {  	[hbm4b:s29+s2] =	stream.linear.scatter [tilespmem:s5], [sflag:$0x2], $0x2000, $0x38;
	[tilespmem:$0x2080] =	vst v63  }
0x183: {  	_ =	swait.ge [sflag:s3], $0x2000  }
0x184: {  	[sflag:s3] =	ssyncset.done $0x0  }
0x185: {  	[sflag:s3] =	ssyncadd.s32 $0xFFFFE000  }
0x186: {  	[tilespmem:s2], [sflag:$0x2] =	stream.linear.gather [hbm4b:s30+s2], $0x80, $0x38;
	[tilespmem:$0x2080] =	vst v63  }
0x187: {  	_ =	swait.ge [sflag:s3], $0x80  }
0x188: {  	[sflag:s3] =	ssyncset.done $0x0  }
0x189: {  	p0 =	sne.s32 s1, $0x1;
	[sflag:s3] =	ssyncadd.s32 $0xFFFFFF80  }
0x18a: {  	[tilespmem:s5], [sflag:$0x1] =	stream.indirect.gather [hbm4b:s4+s5], $0x40, s2, s5, $0xb8;
	[tilespmem:$0x2080] =	vst v63  }
.Ltmp1:
0x18b: {  	_ =	swait.ge [sflag:s6], $0x2000;
	(pc) =	sbr.rel @p0 .LBB2_1-.Ltmp1, $4  }
0x18c: {  	[sflag:s6] =	ssyncset.done $0x0  }
0x18d: {  	[sflag:s6] =	ssyncadd.s32 $0xFFFFE000  }
0x18e: {  	[hbm4b:s31+s2] =	stream.linear.scatter [tilespmem:s5], [sflag:$0x2], $0x2000, $0x38;
	[tilespmem:$0x2080] =	vst v63  }
0x18f: {  	s1 =	sadd.s32 $0xFFFFFFFF, s1;
	_ =	swait.ge [sflag:s3], $0x2000  }
.LBB2_2:
0x190: {  	[sflag:s3] =	ssyncset.done $0x0  }
0x191: {  	[sflag:s3] =	ssyncadd.s32 $0xFFFFE000  }
0x192: {  	_ =	sfence.sel $0x180000  }
0x193: {  	[bflag:$0x0] =	sbarrier.arrive $0xFFFF  }
0x194: {  	_ =	strace $0x90000047  }
0x195: {  	s0 =	stileid.u32;
	[bflag:$0x2] =	sbarrier.arrive $0xFFFF  }
0x196: {  	p0 =	sne.s32 s0, $0x0;
	s0 =	rddreg [dreg:$0x2]  }
0x197: {  	s0 =	sadd.s32 @!p0 $0x100000, s0  }
0x198: {  	[sflag:s0] =	ssyncadd.tile.s32 @!p0 $0x1;
	_ =	shalt  }
.Lfunc_end2:
_tile_overlayer_lowered:
.L_overlay_start_2:
0x199: {  	(tag) =	ssettag $0x2  }
0x19a: {  	s0 =	rddreg [dreg:$0x0];
	s2 =	stileid.u32  }
0x19b: {  	s1 =	rddreg [dreg:$0x1];
	p0 =	sne.s32 s2, $0x0  }
0x19c: {  	s3 =	rddreg [dreg:$0x2];
	[bflag:$0x3] =	sbarrier.arrive $0xFFFF;
	s2 =	simm.s32 @!p0 $0x1C02  }
0x19d: {  	[timem:s3], [sflag:s2] =	dma.local @!p0 [hbm:s0], s1  }
0x19e: {  	s0 =	simm.s32 @!p0 $0x2  }
0x19f: {  	_ =	swait.ge @!p0 [sflag:s0], s1  }
0x1a0: {  	s1 =	ssub.s32 @!p0 $0x0, s1;
	[sflag:s0] =	ssyncset.done @!p0 $0x0  }
0x1a1: {  	[sflag:s0] =	ssyncadd.s32 @!p0 s1  }
0x1a2: {  	[bflag:$0x3] =	sbarrier.arrive $0xFFFF  }
0x1a3: {  	_ =	shalt  }

</sc_bundles>
